<compile_context>
chip_gen: v7x
topology: tpu7x:2x2x1
jax: 0.10.2.dev20260603
libtpu: 0.0.44.dev20260713+nightly
codegen_flags: <defaults>
</compile_context>

<pallas_src>
import functools

import jax
import jax.numpy as jnp
from jax import lax
from jax.experimental import pallas as pl
from jax.experimental.pallas import tpu as pltpu
from jax.experimental.pallas import tpu_sc as plsc

_NC = 2
_NS = 16
_NW = _NC * _NS
_LANES = 16

_CH = 512


def _sc_interp(qin, table, params, n, h, w):
    per_w = n // _NW
    nchunk = per_w // _CH

    mesh = plsc.VectorSubcoreMesh(core_axis_name="c", subcore_axis_name="s")

    @functools.partial(
        pl.kernel,
        out_type=jax.ShapeDtypeStruct((n,), jnp.float32),
        mesh=mesh,
        scratch_types=[
            [pltpu.VMEM((2 * _CH,), jnp.float32) for _ in range(2)],
            [pltpu.VMEM((4 * _CH,), jnp.int32) for _ in range(2)],
            [pltpu.VMEM((4 * _CH,), jnp.float32) for _ in range(2)],
            [pltpu.VMEM((_CH,), jnp.float32) for _ in range(2)],
            [pltpu.VMEM((_CH,), jnp.float32) for _ in range(2)],
            [pltpu.VMEM((_CH,), jnp.float32) for _ in range(2)],
            pltpu.VMEM((4, _LANES), jnp.float32),
            [pltpu.SemaphoreType.DMA for _ in range(2)],
            [pltpu.SemaphoreType.DMA for _ in range(2)],
            [pltpu.SemaphoreType.DMA for _ in range(2)],
        ],
        compiler_params=pltpu.CompilerParams(needs_layout_passes=False),
    )
    def body(in_hbm, table_hbm, par_hbm, out_hbm,
             in_v, idx_v, val_v, ay_v, ax_v, out_v, par_v, sem, semi, semo):
        wid = lax.axis_index("s") * _NC + lax.axis_index("c")
        base_w = pl.multiple_of(wid * per_w, 8)
        pltpu.sync_copy(par_hbm, par_v)
        sy = par_v[0]
        sx = par_v[1]
        oy = par_v[2]
        ox = par_v[3]

        def load_in(c, p):
            @pl.when(c < nchunk)
            def _():
                base = pl.multiple_of(base_w + c * _CH, 8)
                pltpu.async_copy(in_hbm.at[pl.ds(2 * base, 2 * _CH)],
                                 in_v[p], semi[p])

        def cg(c, p):
            base = pl.multiple_of(base_w + c * _CH, 8)
            pltpu.make_async_copy(in_hbm.at[pl.ds(2 * base, 2 * _CH)],
                                  in_v[p], semi[p]).wait()

            def idx_body(i, carry2):
                sl = pl.ds(i * _LANES, _LANES)
                offy = (i >> 3) * 256 + (i & 7) * _LANES
                y = in_v[p][pl.ds(offy, _LANES)] * sy + oy
                x = in_v[p][pl.ds(offy + 128, _LANES)] * sx + ox
                fyi = jnp.minimum(y.astype(jnp.int32), h - 2)
                fxi = jnp.minimum(x.astype(jnp.int32), w - 2)
                ay_v[p][sl] = y - fyi.astype(jnp.float32)
                ax_v[p][sl] = x - fxi.astype(jnp.float32)
                lin = fyi * w + fxi
                idx_v[p][pl.ds(i * _LANES, _LANES)] = lin
                idx_v[p][pl.ds(_CH + i * _LANES, _LANES)] = lin + 1
                idx_v[p][pl.ds(2 * _CH + i * _LANES, _LANES)] = lin + w
                idx_v[p][pl.ds(3 * _CH + i * _LANES, _LANES)] = lin + (w + 1)
                return carry2

            lax.fori_loop(0, _CH // _LANES, idx_body, 0, unroll=2)
            pltpu.async_copy(table_hbm.at[idx_v[p]], val_v[p], sem[p])

        def finish(c, p):
            pltpu.make_async_copy(table_hbm.at[idx_v[p]], val_v[p],
                                  sem[p]).wait()

            @pl.when(c >= 2)
            def _():
                pb = pl.multiple_of(base_w + (c - 2) * _CH, 8)
                pltpu.make_async_copy(out_v[p], out_hbm.at[pl.ds(pb, _CH)],
                                      semo[p]).wait()

            def blend_body(i, carry2):
                sl = pl.ds(i * _LANES, _LANES)
                tl = val_v[p][pl.ds(i * _LANES, _LANES)]
                tr = val_v[p][pl.ds(_CH + i * _LANES, _LANES)]
                bl = val_v[p][pl.ds(2 * _CH + i * _LANES, _LANES)]
                br = val_v[p][pl.ds(3 * _CH + i * _LANES, _LANES)]
                ax = ax_v[p][sl]
                ay = ay_v[p][sl]
                top = tl + ax * (tr - tl)
                bot = bl + ax * (br - bl)
                out_v[p][sl] = top + ay * (bot - top)
                return carry2

            lax.fori_loop(0, _CH // _LANES, blend_body, 0, unroll=2)
            base = pl.multiple_of(base_w + c * _CH, 8)
            pltpu.async_copy(out_v[p], out_hbm.at[pl.ds(base, _CH)], semo[p])

        load_in(0, 0)
        cg(0, 0)
        load_in(1, 1)

        def chunk_body(c2, carry):
            e = c2 * 2
            cg(e + 1, 1)
            load_in(e + 2, 0)
            finish(e, 0)

            @pl.when(e + 2 < nchunk)
            def _():
                cg(e + 2, 0)
                load_in(e + 3, 1)

            finish(e + 1, 1)
            return carry

        lax.fori_loop(0, nchunk // 2, chunk_body, 0)
        for p, c in ((0, nchunk - 2), (1, nchunk - 1)):
            pb = pl.multiple_of(base_w + c * _CH, 8)
            pltpu.make_async_copy(out_v[p], out_hbm.at[pl.ds(pb, _CH)],
                                  semo[p]).wait()

    return body(qin, table, params)


def kernel(inputs, grid, bounds):
    n = inputs.shape[0]
    h, w = grid.shape[1], grid.shape[2]
    table = grid.reshape(h * w)
    qin = inputs.reshape(n // 128, 128, 2).transpose(0, 2, 1).reshape(2 * n)
    hw1 = jnp.array([h - 1, w - 1], dtype=jnp.float32)
    scale = hw1 / (bounds[1] - bounds[0])
    off = -bounds[0] * scale
    params = jnp.broadcast_to(
        jnp.concatenate([scale, off])[:, None], (4, _LANES)
    ) + jnp.zeros((4, _LANES), jnp.float32)
    out = _sc_interp(qin, table, params, n, h, w)
    return out.reshape(n, 1)

# --- scband reference (transcript-rebuilt; emitter-appended) ---
"""Pipeline reference for scband-table-interpolation-11871289606717 (READ-ONLY COPY).

The authoritative reference and input builder live on the scoring server;
editing this copy changes nothing except your own understanding.
"""

import jax, jax.numpy as jnp
import numpy as np

H = 4096
W = 4096
N = 1048576


def interpolate_bilinear(grid, query_points):
    # Faithful port of tfa.image.interpolate_bilinear with indexing='ij'.
    # grid: [B, H, W, C], query_points: [B, n, 2] (y, x) in grid-index units.
    B, H_, W_, C = grid.shape
    y = query_points[..., 0]
    x = query_points[..., 1]
    fy = jnp.clip(jnp.floor(y), 0.0, float(H_ - 2)).astype(jnp.int32)
    fx = jnp.clip(jnp.floor(x), 0.0, float(W_ - 2)).astype(jnp.int32)
    ay = jnp.clip(y - fy.astype(y.dtype), 0.0, 1.0)[..., None]
    ax = jnp.clip(x - fx.astype(x.dtype), 0.0, 1.0)[..., None]
    flat = grid.reshape(B, H_ * W_, C)

    def gather(yy, xx):
        lin = yy * W_ + xx
        return jnp.take_along_axis(flat, lin[..., None], axis=1)

    top_left = gather(fy, fx)
    top_right = gather(fy, fx + 1)
    bottom_left = gather(fy + 1, fx)
    bottom_right = gather(fy + 1, fx + 1)
    top = top_left + ax * (top_right - top_left)
    bottom = bottom_left + ax * (bottom_right - bottom_left)
    return top + ay * (bottom - top)


def setup_inputs(seed: int = 0) -> dict:
    key = jax.random.key(seed)
    k1, k2 = jax.random.split(key)
    inputs = jax.random.uniform(k1, (N, 2), dtype=jnp.float32)  # query points in [0,1)
    # Learned parameters of the layer:
    grid = jax.random.normal(k2, (1, H, W, 1), dtype=jnp.float32)  # 2-D table
    bounds = jnp.array([[0.0, 0.0], [1.0, 1.0]], dtype=jnp.float32)  # [lower(x1,x2); upper(x1,x2)]
    return {"inputs": inputs, "grid": grid, "bounds": bounds}


def reference(inputs, grid, bounds):
    # queryPoints_ind = (grid_shape[1:3] - 1) * (inputs - bounds[0]) / (bounds[1] - bounds[0])
    table_hw = jnp.asarray(grid.shape[1:3], dtype=jnp.float32)
    qp = (table_hw - 1.0) * (inputs - bounds[0]) / (bounds[1] - bounds[0])
    # inputs is rank 2 -> expand_dims(axis=0)
    qp = qp[None, ...]
    out = interpolate_bilinear(grid, qp)
    # rank-2 input -> reshape to [n, C]
    out = out.reshape(out.shape[1], out.shape[2])
    return out

if __name__ == "__main__":
    import jax
    _d = setup_inputs()
    print(jax.jit(kernel)(*tuple(_d.values())))

</pallas_src>

<mosaic_0001>
#map = affine_map<(d0, d1) -> (0)>
#map1 = affine_map<(d0, d1) -> (0, 0)>
module attributes {stable_mosaic.version = 14 : i64} {
  func.func @body(%arg0: i32, %arg1: i32, %arg2: memref<2097152xf32, #tpu.memory_space<hbm>>, %arg3: memref<16777216xf32, #tpu.memory_space<hbm>>, %arg4: memref<4x16xf32, #tpu.memory_space<hbm>>, %arg5: memref<1048576xf32, #tpu.memory_space<hbm>>, %arg6: memref<1024xf32, #tpu.memory_space<vmem>>, %arg7: memref<1024xf32, #tpu.memory_space<vmem>>, %arg8: memref<2048xi32, #tpu.memory_space<vmem>>, %arg9: memref<2048xi32, #tpu.memory_space<vmem>>, %arg10: memref<2048xf32, #tpu.memory_space<vmem>>, %arg11: memref<2048xf32, #tpu.memory_space<vmem>>, %arg12: memref<512xf32, #tpu.memory_space<vmem>>, %arg13: memref<512xf32, #tpu.memory_space<vmem>>, %arg14: memref<512xf32, #tpu.memory_space<vmem>>, %arg15: memref<512xf32, #tpu.memory_space<vmem>>, %arg16: memref<512xf32, #tpu.memory_space<vmem>>, %arg17: memref<512xf32, #tpu.memory_space<vmem>>, %arg18: memref<4x16xf32, #tpu.memory_space<vmem>>, %arg19: memref<!tpu.dma_semaphore, #tpu.memory_space<semaphore_mem>>, %arg20: memref<!tpu.dma_semaphore, #tpu.memory_space<semaphore_mem>>, %arg21: memref<!tpu.dma_semaphore, #tpu.memory_space<semaphore_mem>>, %arg22: memref<!tpu.dma_semaphore, #tpu.memory_space<semaphore_mem>>, %arg23: memref<!tpu.dma_semaphore, #tpu.memory_space<semaphore_mem>>, %arg24: memref<!tpu.dma_semaphore, #tpu.memory_space<semaphore_mem>>) attributes {dimension_semantics = [#tpu.dimension_semantics<core_parallel>, #tpu.dimension_semantics<subcore_parallel>], iteration_bounds = array<i64: 2, 16>, scalar_prefetch = 0 : i64, scratch_operands = 19 : i64, tpu.core_type = #tpu.core_type<sc_vector_subcore>, window_params = [{transform_indices = #map}, {transform_indices = #map}, {transform_indices = #map1}, {transform_indices = #map}]} {
    %mul3A = arith.constant 2 : i32
    %mul3A_0 = arith.muli %arg1, %mul3A : i32
    %add3A = arith.addi %mul3A_0, %arg0 : i32
    %mul3A_1 = arith.constant 32768 : i32
    %mul3A_2 = arith.muli %add3A, %mul3A_1 : i32
    %multiple_of3A = tpu.assume_multiple %mul3A_2, 8 : i32
    "tpu.region"() ({
      %run_scoped3A = tpu.sem_alloc : memref<!tpu.dma_semaphore, #tpu.memory_space<semaphore_mem>>
      tpu.enqueue_dma source(%arg4 : memref<4x16xf32, #tpu.memory_space<hbm>>) target(%arg18 : memref<4x16xf32, #tpu.memory_space<vmem>>) target_semaphore(%run_scoped3A : memref<!tpu.dma_semaphore, #tpu.memory_space<semaphore_mem>>)
      tpu.wait_dma2 semaphore(%run_scoped3A : memref<!tpu.dma_semaphore, #tpu.memory_space<semaphore_mem>>) src(%arg4 : memref<4x16xf32, #tpu.memory_space<hbm>>) dst(%arg18 : memref<4x16xf32, #tpu.memory_space<vmem>>)
      tpu.yield
    }) : () -> ()
    %get3A = arith.constant 0 : i32
    %get3A_3 = arith.index_cast %get3A : i32 to index
    %get3A_4 = arith.constant 0 : index
    %get3A_5 = tpu.vector_load %arg18[%get3A_3, %get3A_4] {strides = array<i32>} : memref<4x16xf32, #tpu.memory_space<vmem>>, vector<16xf32>,
    %get3A_6 = arith.constant 1 : i32
    %get3A_7 = arith.index_cast %get3A_6 : i32 to index
    %get3A_8 = arith.constant 0 : index
    %get3A_9 = tpu.vector_load %arg18[%get3A_7, %get3A_8] {strides = array<i32>} : memref<4x16xf32, #tpu.memory_space<vmem>>, vector<16xf32>,
    %get3A_10 = arith.constant 2 : i32
    %get3A_11 = arith.index_cast %get3A_10 : i32 to index
    %get3A_12 = arith.constant 0 : index
    %get3A_13 = tpu.vector_load %arg18[%get3A_11, %get3A_12] {strides = array<i32>} : memref<4x16xf32, #tpu.memory_space<vmem>>, vector<16xf32>,
    %get3A_14 = arith.constant 3 : i32
    %get3A_15 = arith.index_cast %get3A_14 : i32 to index
    %get3A_16 = arith.constant 0 : index
    %get3A_17 = tpu.vector_load %arg18[%get3A_15, %get3A_16] {strides = array<i32>} : memref<4x16xf32, #tpu.memory_space<vmem>>, vector<16xf32>,
    %add3A_18 = arith.constant 0 : i32
    %add3A_19 = arith.addi %multiple_of3A, %add3A_18 : i32
    %multiple_of3A_20 = tpu.assume_multiple %add3A_19, 8 : i32
    %mul3A_21 = arith.constant 2 : i32
    %mul3A_22 = arith.muli %mul3A_21, %multiple_of3A_20 : i32
    %dma_start3A = tpu.memref_slice %arg2[%mul3A_22] : memref<2097152xf32, #tpu.memory_space<hbm>> -> memref<1024xf32, #tpu.memory_space<hbm>>
    %dma_start3A_23 = tpu.memref_slice %arg2[%mul3A_22] : memref<2097152xf32, #tpu.memory_space<hbm>> -> memref<1024xf32, #tpu.memory_space<hbm>>
    tpu.enqueue_dma source(%dma_start3A_23 : memref<1024xf32, #tpu.memory_space<hbm>>) target(%arg6 : memref<1024xf32, #tpu.memory_space<vmem>>) target_semaphore(%arg21 : memref<!tpu.dma_semaphore, #tpu.memory_space<semaphore_mem>>)
    %add3A_24 = arith.constant 0 : i32
    %add3A_25 = arith.addi %multiple_of3A, %add3A_24 : i32
    %multiple_of3A_26 = tpu.assume_multiple %add3A_25, 8 : i32
    %mul3A_27 = arith.constant 2 : i32
    %mul3A_28 = arith.muli %mul3A_27, %multiple_of3A_26 : i32
    %dma_wait3A = tpu.memref_slice %arg2[%mul3A_28] : memref<2097152xf32, #tpu.memory_space<hbm>> -> memref<1024xf32, #tpu.memory_space<hbm>>
    %dma_wait3A_29 = tpu.memref_slice %arg2[%mul3A_28] : memref<2097152xf32, #tpu.memory_space<hbm>> -> memref<1024xf32, #tpu.memory_space<hbm>>
    tpu.wait_dma2 semaphore(%arg21 : memref<!tpu.dma_semaphore, #tpu.memory_space<semaphore_mem>>) src(%dma_wait3A_29 : memref<1024xf32, #tpu.memory_space<hbm>>) dst(%arg6 : memref<1024xf32, #tpu.memory_space<vmem>>)
    %scan3A = arith.constant 0 : i32
    %scan3A_30 = arith.constant 0 : i32
    %scan3A_31 = arith.constant 32 : i32
    %scan3A_32 = arith.addi %scan3A_30, %scan3A_31 : i32
    %scan3A_33 = arith.constant 2 : i32
    scf.for %scan3A_60 = %scan3A_30 to %scan3A_32 step %scan3A_33  : i32 {
      %mul3A_61 = arith.constant 16 : i32
      %mul3A_62 = arith.muli %scan3A_60, %mul3A_61 : i32
      %shift_right_arithmetic3A = arith.constant 3 : i32
      %shift_right_arithmetic3A_63 = arith.shrsi %scan3A_60, %shift_right_arithmetic3A : i32
      %mul3A_64 = arith.constant 256 : i32
      %mul3A_65 = arith.muli %shift_right_arithmetic3A_63, %mul3A_64 : i32
      %and3A = arith.constant 7 : i32
      %and3A_66 = arith.andi %scan3A_60, %and3A : i32
      %mul3A_67 = arith.constant 16 : i32
      %mul3A_68 = arith.muli %and3A_66, %mul3A_67 : i32
      %add3A_69 = arith.addi %mul3A_65, %mul3A_68 : i32
      %get3A_70 = arith.index_cast %add3A_69 : i32 to index
      %get3A_71 = tpu.vector_load %arg6[%get3A_70] {strides = array<i32>} : memref<1024xf32, #tpu.memory_space<vmem>>, vector<16xf32>,
      %mul3A_72 = arith.mulf %get3A_71, %get3A_5 : vector<16xf32>
      %add3A_73 = arith.addf %mul3A_72, %get3A_13 : vector<16xf32>
      %add3A_74 = arith.constant 128 : i32
      %add3A_75 = arith.addi %add3A_69, %add3A_74 : i32
      %get3A_76 = arith.index_cast %add3A_75 : i32 to index
      %get3A_77 = tpu.vector_load %arg6[%get3A_76] {strides = array<i32>} : memref<1024xf32, #tpu.memory_space<vmem>>, vector<16xf32>,
      %mul3A_78 = arith.mulf %get3A_77, %get3A_9 : vector<16xf32>
      %add3A_79 = arith.addf %mul3A_78, %get3A_17 : vector<16xf32>
      %convert_element_type3A = arith.fptosi %add3A_73 : vector<16xf32> to vector<16xi32>
      %min3A = arith.constant 4094 : i32
      %min3A_80 = vector.broadcast %min3A : i32 to vector<16xi32>
      %min3A_81 = arith.minsi %convert_element_type3A, %min3A_80 : vector<16xi32>
      %convert_element_type3A_82 = arith.fptosi %add3A_79 : vector<16xf32> to vector<16xi32>
      %min3A_83 = arith.constant 4094 : i32
      %min3A_84 = vector.broadcast %min3A_83 : i32 to vector<16xi32>
      %min3A_85 = arith.minsi %convert_element_type3A_82, %min3A_84 : vector<16xi32>
      %convert_element_type3A_86 = arith.sitofp %min3A_81 : vector<16xi32> to vector<16xf32>
      %sub3A = arith.subf %add3A_73, %convert_element_type3A_86 : vector<16xf32>
      %swap3A = arith.index_cast %mul3A_62 : i32 to index
      %swap3A_87 = tpu.vector_load %arg12[%swap3A] {strides = array<i32>} : memref<512xf32, #tpu.memory_space<vmem>>, vector<16xf32>,
      tpu.vector_store %arg12[%swap3A], %sub3A {strides = array<i32>} : memref<512xf32, #tpu.memory_space<vmem>>, vector<16xf32>,
      %convert_element_type3A_88 = arith.sitofp %min3A_85 : vector<16xi32> to vector<16xf32>
      %sub3A_89 = arith.subf %add3A_79, %convert_element_type3A_88 : vector<16xf32>
      %swap3A_90 = arith.index_cast %mul3A_62 : i32 to index
      %swap3A_91 = tpu.vector_load %arg14[%swap3A_90] {strides = array<i32>} : memref<512xf32, #tpu.memory_space<vmem>>, vector<16xf32>,
      tpu.vector_store %arg14[%swap3A_90], %sub3A_89 {strides = array<i32>} : memref<512xf32, #tpu.memory_space<vmem>>, vector<16xf32>,
      %mul3A_92 = arith.constant 4096 : i32
      %mul3A_93 = vector.broadcast %mul3A_92 : i32 to vector<16xi32>
      %mul3A_94 = arith.muli %min3A_81, %mul3A_93 : vector<16xi32>
      %add3A_95 = arith.addi %mul3A_94, %min3A_85 : vector<16xi32>
      %mul3A_96 = arith.constant 16 : i32
      %mul3A_97 = arith.muli %scan3A_60, %mul3A_96 : i32
      %swap3A_98 = arith.index_cast %mul3A_97 : i32 to index
      %swap3A_99 = tpu.vector_load %arg8[%swap3A_98] {strides = array<i32>} : memref<2048xi32, #tpu.memory_space<vmem>>, vector<16xi32>,
      tpu.vector_store %arg8[%swap3A_98], %add3A_95 {strides = array<i32>} : memref<2048xi32, #tpu.memory_space<vmem>>, vector<16xi32>,
      %add3A_100 = arith.constant 1 : i32
      %add3A_101 = vector.broadcast %add3A_100 : i32 to vector<16xi32>
      %add3A_102 = arith.addi %add3A_95, %add3A_101 : vector<16xi32>
      %mul3A_103 = arith.constant 16 : i32
      %mul3A_104 = arith.muli %scan3A_60, %mul3A_103 : i32
      %add3A_105 = arith.constant 512 : i32
      %add3A_106 = arith.addi %add3A_105, %mul3A_104 : i32
      %swap3A_107 = arith.index_cast %add3A_106 : i32 to index
      %swap3A_108 = tpu.vector_load %arg8[%swap3A_107] {strides = array<i32>} : memref<2048xi32, #tpu.memory_space<vmem>>, vector<16xi32>,
      tpu.vector_store %arg8[%swap3A_107], %add3A_102 {strides = array<i32>} : memref<2048xi32, #tpu.memory_space<vmem>>, vector<16xi32>,
      %add3A_109 = arith.constant 4096 : i32
      %add3A_110 = vector.broadcast %add3A_109 : i32 to vector<16xi32>
      %add3A_111 = arith.addi %add3A_95, %add3A_110 : vector<16xi32>
      %mul3A_112 = arith.constant 16 : i32
      %mul3A_113 = arith.muli %scan3A_60, %mul3A_112 : i32
      %add3A_114 = arith.constant 1024 : i32
      %add3A_115 = arith.addi %add3A_114, %mul3A_113 : i32
      %swap3A_116 = arith.index_cast %add3A_115 : i32 to index
      %swap3A_117 = tpu.vector_load %arg8[%swap3A_116] {strides = array<i32>} : memref<2048xi32, #tpu.memory_space<vmem>>, vector<16xi32>,
      tpu.vector_store %arg8[%swap3A_116], %add3A_111 {strides = array<i32>} : memref<2048xi32, #tpu.memory_space<vmem>>, vector<16xi32>,
      %add3A_118 = arith.constant 4097 : i32
      %add3A_119 = vector.broadcast %add3A_118 : i32 to vector<16xi32>
      %add3A_120 = arith.addi %add3A_95, %add3A_119 : vector<16xi32>
      %mul3A_121 = arith.constant 16 : i32
      %mul3A_122 = arith.muli %scan3A_60, %mul3A_121 : i32
      %add3A_123 = arith.constant 1536 : i32
      %add3A_124 = arith.addi %add3A_123, %mul3A_122 : i32
      %swap3A_125 = arith.index_cast %add3A_124 : i32 to index
      %swap3A_126 = tpu.vector_load %arg8[%swap3A_125] {strides = array<i32>} : memref<2048xi32, #tpu.memory_space<vmem>>, vector<16xi32>,
      tpu.vector_store %arg8[%swap3A_125], %add3A_120 {strides = array<i32>} : memref<2048xi32, #tpu.memory_space<vmem>>, vector<16xi32>,
      %scan3A_127 = arith.constant 1 : i32
      %scan3A_128 = arith.addi %scan3A_60, %scan3A_127 : i32
      %mul3A_129 = arith.constant 16 : i32
      %mul3A_130 = arith.muli %scan3A_128, %mul3A_129 : i32
      %shift_right_arithmetic3A_131 = arith.constant 3 : i32
      %shift_right_arithmetic3A_132 = arith.shrsi %scan3A_128, %shift_right_arithmetic3A_131 : i32
      %mul3A_133 = arith.constant 256 : i32
      %mul3A_134 = arith.muli %shift_right_arithmetic3A_132, %mul3A_133 : i32
      %and3A_135 = arith.constant 7 : i32
      %and3A_136 = arith.andi %scan3A_128, %and3A_135 : i32
      %mul3A_137 = arith.constant 16 : i32
      %mul3A_138 = arith.muli %and3A_136, %mul3A_137 : i32
      %add3A_139 = arith.addi %mul3A_134, %mul3A_138 : i32
      %get3A_140 = arith.index_cast %add3A_139 : i32 to index
      %get3A_141 = tpu.vector_load %arg6[%get3A_140] {strides = array<i32>} : memref<1024xf32, #tpu.memory_space<vmem>>, vector<16xf32>,
      %mul3A_142 = arith.mulf %get3A_141, %get3A_5 : vector<16xf32>
      %add3A_143 = arith.addf %mul3A_142, %get3A_13 : vector<16xf32>
      %add3A_144 = arith.constant 128 : i32
      %add3A_145 = arith.addi %add3A_139, %add3A_144 : i32
      %get3A_146 = arith.index_cast %add3A_145 : i32 to index
      %get3A_147 = tpu.vector_load %arg6[%get3A_146] {strides = array<i32>} : memref<1024xf32, #tpu.memory_space<vmem>>, vector<16xf32>,
      %mul3A_148 = arith.mulf %get3A_147, %get3A_9 : vector<16xf32>
      %add3A_149 = arith.addf %mul3A_148, %get3A_17 : vector<16xf32>
      %convert_element_type3A_150 = arith.fptosi %add3A_143 : vector<16xf32> to vector<16xi32>
      %min3A_151 = arith.constant 4094 : i32
      %min3A_152 = vector.broadcast %min3A_151 : i32 to vector<16xi32>
      %min3A_153 = arith.minsi %convert_element_type3A_150, %min3A_152 : vector<16xi32>
      %convert_element_type3A_154 = arith.fptosi %add3A_149 : vector<16xf32> to vector<16xi32>
      %min3A_155 = arith.constant 4094 : i32
      %min3A_156 = vector.broadcast %min3A_155 : i32 to vector<16xi32>
      %min3A_157 = arith.minsi %convert_element_type3A_154, %min3A_156 : vector<16xi32>
      %convert_element_type3A_158 = arith.sitofp %min3A_153 : vector<16xi32> to vector<16xf32>
      %sub3A_159 = arith.subf %add3A_143, %convert_element_type3A_158 : vector<16xf32>
      %swap3A_160 = arith.index_cast %mul3A_130 : i32 to index
      %swap3A_161 = tpu.vector_load %arg12[%swap3A_160] {strides = array<i32>} : memref<512xf32, #tpu.memory_space<vmem>>, vector<16xf32>,
      tpu.vector_store %arg12[%swap3A_160], %sub3A_159 {strides = array<i32>} : memref<512xf32, #tpu.memory_space<vmem>>, vector<16xf32>,
      %convert_element_type3A_162 = arith.sitofp %min3A_157 : vector<16xi32> to vector<16xf32>
      %sub3A_163 = arith.subf %add3A_149, %convert_element_type3A_162 : vector<16xf32>
      %swap3A_164 = arith.index_cast %mul3A_130 : i32 to index
      %swap3A_165 = tpu.vector_load %arg14[%swap3A_164] {strides = array<i32>} : memref<512xf32, #tpu.memory_space<vmem>>, vector<16xf32>,
      tpu.vector_store %arg14[%swap3A_164], %sub3A_163 {strides = array<i32>} : memref<512xf32, #tpu.memory_space<vmem>>, vector<16xf32>,
      %mul3A_166 = arith.constant 4096 : i32
      %mul3A_167 = vector.broadcast %mul3A_166 : i32 to vector<16xi32>
      %mul3A_168 = arith.muli %min3A_153, %mul3A_167 : vector<16xi32>
      %add3A_169 = arith.addi %mul3A_168, %min3A_157 : vector<16xi32>
      %mul3A_170 = arith.constant 16 : i32
      %mul3A_171 = arith.muli %scan3A_128, %mul3A_170 : i32
      %swap3A_172 = arith.index_cast %mul3A_171 : i32 to index
      %swap3A_173 = tpu.vector_load %arg8[%swap3A_172] {strides = array<i32>} : memref<2048xi32, #tpu.memory_space<vmem>>, vector<16xi32>,
      tpu.vector_store %arg8[%swap3A_172], %add3A_169 {strides = array<i32>} : memref<2048xi32, #tpu.memory_space<vmem>>, vector<16xi32>,
      %add3A_174 = arith.constant 1 : i32
      %add3A_175 = vector.broadcast %add3A_174 : i32 to vector<16xi32>
      %add3A_176 = arith.addi %add3A_169, %add3A_175 : vector<16xi32>
      %mul3A_177 = arith.constant 16 : i32
      %mul3A_178 = arith.muli %scan3A_128, %mul3A_177 : i32
      %add3A_179 = arith.constant 512 : i32
      %add3A_180 = arith.addi %add3A_179, %mul3A_178 : i32
      %swap3A_181 = arith.index_cast %add3A_180 : i32 to index
      %swap3A_182 = tpu.vector_load %arg8[%swap3A_181] {strides = array<i32>} : memref<2048xi32, #tpu.memory_space<vmem>>, vector<16xi32>,
      tpu.vector_store %arg8[%swap3A_181], %add3A_176 {strides = array<i32>} : memref<2048xi32, #tpu.memory_space<vmem>>, vector<16xi32>,
      %add3A_183 = arith.constant 4096 : i32
      %add3A_184 = vector.broadcast %add3A_183 : i32 to vector<16xi32>
      %add3A_185 = arith.addi %add3A_169, %add3A_184 : vector<16xi32>
      %mul3A_186 = arith.constant 16 : i32
      %mul3A_187 = arith.muli %scan3A_128, %mul3A_186 : i32
      %add3A_188 = arith.constant 1024 : i32
      %add3A_189 = arith.addi %add3A_188, %mul3A_187 : i32
      %swap3A_190 = arith.index_cast %add3A_189 : i32 to index
      %swap3A_191 = tpu.vector_load %arg8[%swap3A_190] {strides = array<i32>} : memref<2048xi32, #tpu.memory_space<vmem>>, vector<16xi32>,
      tpu.vector_store %arg8[%swap3A_190], %add3A_185 {strides = array<i32>} : memref<2048xi32, #tpu.memory_space<vmem>>, vector<16xi32>,
      %add3A_192 = arith.constant 4097 : i32
      %add3A_193 = vector.broadcast %add3A_192 : i32 to vector<16xi32>
      %add3A_194 = arith.addi %add3A_169, %add3A_193 : vector<16xi32>
      %mul3A_195 = arith.constant 16 : i32
      %mul3A_196 = arith.muli %scan3A_128, %mul3A_195 : i32
      %add3A_197 = arith.constant 1536 : i32
      %add3A_198 = arith.addi %add3A_197, %mul3A_196 : i32
      %swap3A_199 = arith.index_cast %add3A_198 : i32 to index
      %swap3A_200 = tpu.vector_load %arg8[%swap3A_199] {strides = array<i32>} : memref<2048xi32, #tpu.memory_space<vmem>>, vector<16xi32>,
      tpu.vector_store %arg8[%swap3A_199], %add3A_194 {strides = array<i32>} : memref<2048xi32, #tpu.memory_space<vmem>>, vector<16xi32>,
    }
    %scan3A_34 = arith.constant 32 : i32
    %dma_start3A_35 = arith.constant 0 : i32
    %dma_start3A_36 = tpu.memref_slice %arg3[%dma_start3A_35] : memref<16777216xf32, #tpu.memory_space<hbm>> -> memref<16777216xf32, #tpu.memory_space<hbm>>
    tpu.enqueue_indirect_dma source(%dma_start3A_36 : memref<16777216xf32, #tpu.memory_space<hbm>>) target(%arg10 : memref<2048xf32, #tpu.memory_space<vmem>>) offsets(%arg8 : memref<2048xi32, #tpu.memory_space<vmem>>) semaphore(%arg19 : memref<!tpu.dma_semaphore, #tpu.memory_space<semaphore_mem>>)
    %add3A_37 = arith.constant 512 : i32
    %add3A_38 = arith.addi %multiple_of3A, %add3A_37 : i32
    %multiple_of3A_39 = tpu.assume_multiple %add3A_38, 8 : i32
    %mul3A_40 = arith.constant 2 : i32
    %mul3A_41 = arith.muli %mul3A_40, %multiple_of3A_39 : i32
    %dma_start3A_42 = tpu.memref_slice %arg2[%mul3A_41] : memref<2097152xf32, #tpu.memory_space<hbm>> -> memref<1024xf32, #tpu.memory_space<hbm>>
    %dma_start3A_43 = tpu.memref_slice %arg2[%mul3A_41] : memref<2097152xf32, #tpu.memory_space<hbm>> -> memref<1024xf32, #tpu.memory_space<hbm>>
    tpu.enqueue_dma source(%dma_start3A_43 : memref<1024xf32, #tpu.memory_space<hbm>>) target(%arg7 : memref<1024xf32, #tpu.memory_space<vmem>>) target_semaphore(%arg22 : memref<!tpu.dma_semaphore, #tpu.memory_space<semaphore_mem>>)
    %scan3A_44 = arith.constant 0 : i32
    %scan3A_45 = arith.constant 0 : i32
    %scan3A_46 = arith.constant 32 : i32
    %scan3A_47 = arith.addi %scan3A_45, %scan3A_46 : i32
    %scan3A_48 = arith.constant 1 : i32
    scf.for %scan3A_60 = %scan3A_45 to %scan3A_47 step %scan3A_48  : i32 {
      %mul3A_61 = arith.constant 2 : i32
      %mul3A_62 = arith.muli %scan3A_60, %mul3A_61 : i32
      %add3A_63 = arith.constant 1 : i32
      %add3A_64 = arith.addi %mul3A_62, %add3A_63 : i32
      %mul3A_65 = arith.constant 512 : i32
      %mul3A_66 = arith.muli %add3A_64, %mul3A_65 : i32
      %add3A_67 = arith.addi %multiple_of3A, %mul3A_66 : i32
      %multiple_of3A_68 = tpu.assume_multiple %add3A_67, 8 : i32
      %mul3A_69 = arith.constant 2 : i32
      %mul3A_70 = arith.muli %mul3A_69, %multiple_of3A_68 : i32
      %dma_wait3A_71 = tpu.memref_slice %arg2[%mul3A_70] : memref<2097152xf32, #tpu.memory_space<hbm>> -> memref<1024xf32, #tpu.memory_space<hbm>>
      %dma_wait3A_72 = tpu.memref_slice %arg2[%mul3A_70] : memref<2097152xf32, #tpu.memory_space<hbm>> -> memref<1024xf32, #tpu.memory_space<hbm>>
      tpu.wait_dma2 semaphore(%arg22 : memref<!tpu.dma_semaphore, #tpu.memory_space<semaphore_mem>>) src(%dma_wait3A_72 : memref<1024xf32, #tpu.memory_space<hbm>>) dst(%arg7 : memref<1024xf32, #tpu.memory_space<vmem>>)
      %scan3A_73 = arith.constant 0 : i32
      %scan3A_74 = arith.constant 0 : i32
      %scan3A_75 = arith.constant 32 : i32
      %scan3A_76 = arith.addi %scan3A_74, %scan3A_75 : i32
      %scan3A_77 = arith.constant 2 : i32
      scf.for %scan3A_131 = %scan3A_74 to %scan3A_76 step %scan3A_77  : i32 {
        %mul3A_132 = arith.constant 16 : i32
        %mul3A_133 = arith.muli %scan3A_131, %mul3A_132 : i32
        %shift_right_arithmetic3A = arith.constant 3 : i32
        %shift_right_arithmetic3A_134 = arith.shrsi %scan3A_131, %shift_right_arithmetic3A : i32
        %mul3A_135 = arith.constant 256 : i32
        %mul3A_136 = arith.muli %shift_right_arithmetic3A_134, %mul3A_135 : i32
        %and3A = arith.constant 7 : i32
        %and3A_137 = arith.andi %scan3A_131, %and3A : i32
        %mul3A_138 = arith.constant 16 : i32
        %mul3A_139 = arith.muli %and3A_137, %mul3A_138 : i32
        %add3A_140 = arith.addi %mul3A_136, %mul3A_139 : i32
        %get3A_141 = arith.index_cast %add3A_140 : i32 to index
        %get3A_142 = tpu.vector_load %arg7[%get3A_141] {strides = array<i32>} : memref<1024xf32, #tpu.memory_space<vmem>>, vector<16xf32>,
        %mul3A_143 = arith.mulf %get3A_142, %get3A_5 : vector<16xf32>
        %add3A_144 = arith.addf %mul3A_143, %get3A_13 : vector<16xf32>
        %add3A_145 = arith.constant 128 : i32
        %add3A_146 = arith.addi %add3A_140, %add3A_145 : i32
        %get3A_147 = arith.index_cast %add3A_146 : i32 to index
        %get3A_148 = tpu.vector_load %arg7[%get3A_147] {strides = array<i32>} : memref<1024xf32, #tpu.memory_space<vmem>>, vector<16xf32>,
        %mul3A_149 = arith.mulf %get3A_148, %get3A_9 : vector<16xf32>
        %add3A_150 = arith.addf %mul3A_149, %get3A_17 : vector<16xf32>
        %convert_element_type3A_151 = arith.fptosi %add3A_144 : vector<16xf32> to vector<16xi32>
        %min3A = arith.constant 4094 : i32
        %min3A_152 = vector.broadcast %min3A : i32 to vector<16xi32>
        %min3A_153 = arith.minsi %convert_element_type3A_151, %min3A_152 : vector<16xi32>
        %convert_element_type3A_154 = arith.fptosi %add3A_150 : vector<16xf32> to vector<16xi32>
        %min3A_155 = arith.constant 4094 : i32
        %min3A_156 = vector.broadcast %min3A_155 : i32 to vector<16xi32>
        %min3A_157 = arith.minsi %convert_element_type3A_154, %min3A_156 : vector<16xi32>
        %convert_element_type3A_158 = arith.sitofp %min3A_153 : vector<16xi32> to vector<16xf32>
        %sub3A = arith.subf %add3A_144, %convert_element_type3A_158 : vector<16xf32>
        %swap3A = arith.index_cast %mul3A_133 : i32 to index
        %swap3A_159 = tpu.vector_load %arg13[%swap3A] {strides = array<i32>} : memref<512xf32, #tpu.memory_space<vmem>>, vector<16xf32>,
        tpu.vector_store %arg13[%swap3A], %sub3A {strides = array<i32>} : memref<512xf32, #tpu.memory_space<vmem>>, vector<16xf32>,
        %convert_element_type3A_160 = arith.sitofp %min3A_157 : vector<16xi32> to vector<16xf32>
        %sub3A_161 = arith.subf %add3A_150, %convert_element_type3A_160 : vector<16xf32>
        %swap3A_162 = arith.index_cast %mul3A_133 : i32 to index
        %swap3A_163 = tpu.vector_load %arg15[%swap3A_162] {strides = array<i32>} : memref<512xf32, #tpu.memory_space<vmem>>, vector<16xf32>,
        tpu.vector_store %arg15[%swap3A_162], %sub3A_161 {strides = array<i32>} : memref<512xf32, #tpu.memory_space<vmem>>, vector<16xf32>,
        %mul3A_164 = arith.constant 4096 : i32
        %mul3A_165 = vector.broadcast %mul3A_164 : i32 to vector<16xi32>
        %mul3A_166 = arith.muli %min3A_153, %mul3A_165 : vector<16xi32>
        %add3A_167 = arith.addi %mul3A_166, %min3A_157 : vector<16xi32>
        %mul3A_168 = arith.constant 16 : i32
        %mul3A_169 = arith.muli %scan3A_131, %mul3A_168 : i32
        %swap3A_170 = arith.index_cast %mul3A_169 : i32 to index
        %swap3A_171 = tpu.vector_load %arg9[%swap3A_170] {strides = array<i32>} : memref<2048xi32, #tpu.memory_space<vmem>>, vector<16xi32>,
        tpu.vector_store %arg9[%swap3A_170], %add3A_167 {strides = array<i32>} : memref<2048xi32, #tpu.memory_space<vmem>>, vector<16xi32>,
        %add3A_172 = arith.constant 1 : i32
        %add3A_173 = vector.broadcast %add3A_172 : i32 to vector<16xi32>
        %add3A_174 = arith.addi %add3A_167, %add3A_173 : vector<16xi32>
        %mul3A_175 = arith.constant 16 : i32
        %mul3A_176 = arith.muli %scan3A_131, %mul3A_175 : i32
        %add3A_177 = arith.constant 512 : i32
        %add3A_178 = arith.addi %add3A_177, %mul3A_176 : i32
        %swap3A_179 = arith.index_cast %add3A_178 : i32 to index
        %swap3A_180 = tpu.vector_load %arg9[%swap3A_179] {strides = array<i32>} : memref<2048xi32, #tpu.memory_space<vmem>>, vector<16xi32>,
        tpu.vector_store %arg9[%swap3A_179], %add3A_174 {strides = array<i32>} : memref<2048xi32, #tpu.memory_space<vmem>>, vector<16xi32>,
        %add3A_181 = arith.constant 4096 : i32
        %add3A_182 = vector.broadcast %add3A_181 : i32 to vector<16xi32>
        %add3A_183 = arith.addi %add3A_167, %add3A_182 : vector<16xi32>
        %mul3A_184 = arith.constant 16 : i32
        %mul3A_185 = arith.muli %scan3A_131, %mul3A_184 : i32
        %add3A_186 = arith.constant 1024 : i32
        %add3A_187 = arith.addi %add3A_186, %mul3A_185 : i32
        %swap3A_188 = arith.index_cast %add3A_187 : i32 to index
        %swap3A_189 = tpu.vector_load %arg9[%swap3A_188] {strides = array<i32>} : memref<2048xi32, #tpu.memory_space<vmem>>, vector<16xi32>,
        tpu.vector_store %arg9[%swap3A_188], %add3A_183 {strides = array<i32>} : memref<2048xi32, #tpu.memory_space<vmem>>, vector<16xi32>,
        %add3A_190 = arith.constant 4097 : i32
        %add3A_191 = vector.broadcast %add3A_190 : i32 to vector<16xi32>
        %add3A_192 = arith.addi %add3A_167, %add3A_191 : vector<16xi32>
        %mul3A_193 = arith.constant 16 : i32
        %mul3A_194 = arith.muli %scan3A_131, %mul3A_193 : i32
        %add3A_195 = arith.constant 1536 : i32
        %add3A_196 = arith.addi %add3A_195, %mul3A_194 : i32
        %swap3A_197 = arith.index_cast %add3A_196 : i32 to index
        %swap3A_198 = tpu.vector_load %arg9[%swap3A_197] {strides = array<i32>} : memref<2048xi32, #tpu.memory_space<vmem>>, vector<16xi32>,
        tpu.vector_store %arg9[%swap3A_197], %add3A_192 {strides = array<i32>} : memref<2048xi32, #tpu.memory_space<vmem>>, vector<16xi32>,
        %scan3A_199 = arith.constant 1 : i32
        %scan3A_200 = arith.addi %scan3A_131, %scan3A_199 : i32
        %mul3A_201 = arith.constant 16 : i32
        %mul3A_202 = arith.muli %scan3A_200, %mul3A_201 : i32
        %shift_right_arithmetic3A_203 = arith.constant 3 : i32
        %shift_right_arithmetic3A_204 = arith.shrsi %scan3A_200, %shift_right_arithmetic3A_203 : i32
        %mul3A_205 = arith.constant 256 : i32
        %mul3A_206 = arith.muli %shift_right_arithmetic3A_204, %mul3A_205 : i32
        %and3A_207 = arith.constant 7 : i32
        %and3A_208 = arith.andi %scan3A_200, %and3A_207 : i32
        %mul3A_209 = arith.constant 16 : i32
        %mul3A_210 = arith.muli %and3A_208, %mul3A_209 : i32
        %add3A_211 = arith.addi %mul3A_206, %mul3A_210 : i32
        %get3A_212 = arith.index_cast %add3A_211 : i32 to index
        %get3A_213 = tpu.vector_load %arg7[%get3A_212] {strides = array<i32>} : memref<1024xf32, #tpu.memory_space<vmem>>, vector<16xf32>,
        %mul3A_214 = arith.mulf %get3A_213, %get3A_5 : vector<16xf32>
        %add3A_215 = arith.addf %mul3A_214, %get3A_13 : vector<16xf32>
        %add3A_216 = arith.constant 128 : i32
        %add3A_217 = arith.addi %add3A_211, %add3A_216 : i32
        %get3A_218 = arith.index_cast %add3A_217 : i32 to index
        %get3A_219 = tpu.vector_load %arg7[%get3A_218] {strides = array<i32>} : memref<1024xf32, #tpu.memory_space<vmem>>, vector<16xf32>,
        %mul3A_220 = arith.mulf %get3A_219, %get3A_9 : vector<16xf32>
        %add3A_221 = arith.addf %mul3A_220, %get3A_17 : vector<16xf32>
        %convert_element_type3A_222 = arith.fptosi %add3A_215 : vector<16xf32> to vector<16xi32>
        %min3A_223 = arith.constant 4094 : i32
        %min3A_224 = vector.broadcast %min3A_223 : i32 to vector<16xi32>
        %min3A_225 = arith.minsi %convert_element_type3A_222, %min3A_224 : vector<16xi32>
        %convert_element_type3A_226 = arith.fptosi %add3A_221 : vector<16xf32> to vector<16xi32>
        %min3A_227 = arith.constant 4094 : i32
        %min3A_228 = vector.broadcast %min3A_227 : i32 to vector<16xi32>
        %min3A_229 = arith.minsi %convert_element_type3A_226, %min3A_228 : vector<16xi32>
        %convert_element_type3A_230 = arith.sitofp %min3A_225 : vector<16xi32> to vector<16xf32>
        %sub3A_231 = arith.subf %add3A_215, %convert_element_type3A_230 : vector<16xf32>
        %swap3A_232 = arith.index_cast %mul3A_202 : i32 to index
        %swap3A_233 = tpu.vector_load %arg13[%swap3A_232] {strides = array<i32>} : memref<512xf32, #tpu.memory_space<vmem>>, vector<16xf32>,
        tpu.vector_store %arg13[%swap3A_232], %sub3A_231 {strides = array<i32>} : memref<512xf32, #tpu.memory_space<vmem>>, vector<16xf32>,
        %convert_element_type3A_234 = arith.sitofp %min3A_229 : vector<16xi32> to vector<16xf32>
        %sub3A_235 = arith.subf %add3A_221, %convert_element_type3A_234 : vector<16xf32>
        %swap3A_236 = arith.index_cast %mul3A_202 : i32 to index
        %swap3A_237 = tpu.vector_load %arg15[%swap3A_236] {strides = array<i32>} : memref<512xf32, #tpu.memory_space<vmem>>, vector<16xf32>,
        tpu.vector_store %arg15[%swap3A_236], %sub3A_235 {strides = array<i32>} : memref<512xf32, #tpu.memory_space<vmem>>, vector<16xf32>,
        %mul3A_238 = arith.constant 4096 : i32
        %mul3A_239 = vector.broadcast %mul3A_238 : i32 to vector<16xi32>
        %mul3A_240 = arith.muli %min3A_225, %mul3A_239 : vector<16xi32>
        %add3A_241 = arith.addi %mul3A_240, %min3A_229 : vector<16xi32>
        %mul3A_242 = arith.constant 16 : i32
        %mul3A_243 = arith.muli %scan3A_200, %mul3A_242 : i32
        %swap3A_244 = arith.index_cast %mul3A_243 : i32 to index
        %swap3A_245 = tpu.vector_load %arg9[%swap3A_244] {strides = array<i32>} : memref<2048xi32, #tpu.memory_space<vmem>>, vector<16xi32>,
        tpu.vector_store %arg9[%swap3A_244], %add3A_241 {strides = array<i32>} : memref<2048xi32, #tpu.memory_space<vmem>>, vector<16xi32>,
        %add3A_246 = arith.constant 1 : i32
        %add3A_247 = vector.broadcast %add3A_246 : i32 to vector<16xi32>
        %add3A_248 = arith.addi %add3A_241, %add3A_247 : vector<16xi32>
        %mul3A_249 = arith.constant 16 : i32
        %mul3A_250 = arith.muli %scan3A_200, %mul3A_249 : i32
        %add3A_251 = arith.constant 512 : i32
        %add3A_252 = arith.addi %add3A_251, %mul3A_250 : i32
        %swap3A_253 = arith.index_cast %add3A_252 : i32 to index
        %swap3A_254 = tpu.vector_load %arg9[%swap3A_253] {strides = array<i32>} : memref<2048xi32, #tpu.memory_space<vmem>>, vector<16xi32>,
        tpu.vector_store %arg9[%swap3A_253], %add3A_248 {strides = array<i32>} : memref<2048xi32, #tpu.memory_space<vmem>>, vector<16xi32>,
        %add3A_255 = arith.constant 4096 : i32
        %add3A_256 = vector.broadcast %add3A_255 : i32 to vector<16xi32>
        %add3A_257 = arith.addi %add3A_241, %add3A_256 : vector<16xi32>
        %mul3A_258 = arith.constant 16 : i32
        %mul3A_259 = arith.muli %scan3A_200, %mul3A_258 : i32
        %add3A_260 = arith.constant 1024 : i32
        %add3A_261 = arith.addi %add3A_260, %mul3A_259 : i32
        %swap3A_262 = arith.index_cast %add3A_261 : i32 to index
        %swap3A_263 = tpu.vector_load %arg9[%swap3A_262] {strides = array<i32>} : memref<2048xi32, #tpu.memory_space<vmem>>, vector<16xi32>,
        tpu.vector_store %arg9[%swap3A_262], %add3A_257 {strides = array<i32>} : memref<2048xi32, #tpu.memory_space<vmem>>, vector<16xi32>,
        %add3A_264 = arith.constant 4097 : i32
        %add3A_265 = vector.broadcast %add3A_264 : i32 to vector<16xi32>
        %add3A_266 = arith.addi %add3A_241, %add3A_265 : vector<16xi32>
        %mul3A_267 = arith.constant 16 : i32
        %mul3A_268 = arith.muli %scan3A_200, %mul3A_267 : i32
        %add3A_269 = arith.constant 1536 : i32
        %add3A_270 = arith.addi %add3A_269, %mul3A_268 : i32
        %swap3A_271 = arith.index_cast %add3A_270 : i32 to index
        %swap3A_272 = tpu.vector_load %arg9[%swap3A_271] {strides = array<i32>} : memref<2048xi32, #tpu.memory_space<vmem>>, vector<16xi32>,
        tpu.vector_store %arg9[%swap3A_271], %add3A_266 {strides = array<i32>} : memref<2048xi32, #tpu.memory_space<vmem>>, vector<16xi32>,
      }
      %scan3A_78 = arith.constant 32 : i32
      %dma_start3A_79 = arith.constant 0 : i32
      %dma_start3A_80 = tpu.memref_slice %arg3[%dma_start3A_79] : memref<16777216xf32, #tpu.memory_space<hbm>> -> memref<16777216xf32, #tpu.memory_space<hbm>>
      tpu.enqueue_indirect_dma source(%dma_start3A_80 : memref<16777216xf32, #tpu.memory_space<hbm>>) target(%arg11 : memref<2048xf32, #tpu.memory_space<vmem>>) offsets(%arg9 : memref<2048xi32, #tpu.memory_space<vmem>>) semaphore(%arg20 : memref<!tpu.dma_semaphore, #tpu.memory_space<semaphore_mem>>)
      %add3A_81 = arith.constant 2 : i32
      %add3A_82 = arith.addi %mul3A_62, %add3A_81 : i32
      %lt3A = arith.constant 64 : i32
      %lt3A_83 = arith.cmpi slt, %add3A_82, %lt3A : i32
      %convert_element_type3A = arith.extui %lt3A_83 : i1 to i32
      %cond3A = arith.constant 0 : i32
      %cond3A_84 = arith.cmpi ne, %convert_element_type3A, %cond3A : i32
      scf.if %cond3A_84 {
        %mul3A_131 = arith.constant 512 : i32
        %mul3A_132 = arith.muli %add3A_82, %mul3A_131 : i32
        %add3A_133 = arith.addi %multiple_of3A, %mul3A_132 : i32
        %multiple_of3A_134 = tpu.assume_multiple %add3A_133, 8 : i32
        %mul3A_135 = arith.constant 2 : i32
        %mul3A_136 = arith.muli %mul3A_135, %multiple_of3A_134 : i32
        %dma_start3A_137 = tpu.memref_slice %arg2[%mul3A_136] : memref<2097152xf32, #tpu.memory_space<hbm>> -> memref<1024xf32, #tpu.memory_space<hbm>>
        %dma_start3A_138 = tpu.memref_slice %arg2[%mul3A_136] : memref<2097152xf32, #tpu.memory_space<hbm>> -> memref<1024xf32, #tpu.memory_space<hbm>>
        tpu.enqueue_dma source(%dma_start3A_138 : memref<1024xf32, #tpu.memory_space<hbm>>) target(%arg6 : memref<1024xf32, #tpu.memory_space<vmem>>) target_semaphore(%arg21 : memref<!tpu.dma_semaphore, #tpu.memory_space<semaphore_mem>>)
      } else {
      }
      %dma_wait3A_85 = arith.constant 0 : i32
      %dma_wait3A_86 = tpu.memref_slice %arg3[%dma_wait3A_85] : memref<16777216xf32, #tpu.memory_space<hbm>> -> memref<16777216xf32, #tpu.memory_space<hbm>>
      tpu.wait_indirect_dma semaphore(%arg19 : memref<!tpu.dma_semaphore, #tpu.memory_space<semaphore_mem>>) src(%dma_wait3A_86 : memref<16777216xf32, #tpu.memory_space<hbm>>) dst(%arg10 : memref<2048xf32, #tpu.memory_space<vmem>>)
      %ge3A = arith.constant 2 : i32
      %ge3A_87 = arith.cmpi sge, %mul3A_62, %ge3A : i32
      %convert_element_type3A_88 = arith.extui %ge3A_87 : i1 to i32
      %cond3A_89 = arith.constant 0 : i32
      %cond3A_90 = arith.cmpi ne, %convert_element_type3A_88, %cond3A_89 : i32
      scf.if %cond3A_90 {
        %sub3A = arith.constant 2 : i32
        %sub3A_131 = arith.subi %mul3A_62, %sub3A : i32
        %mul3A_132 = arith.constant 512 : i32
        %mul3A_133 = arith.muli %sub3A_131, %mul3A_132 : i32
        %add3A_134 = arith.addi %multiple_of3A, %mul3A_133 : i32
        %multiple_of3A_135 = tpu.assume_multiple %add3A_134, 8 : i32
        %dma_wait3A_136 = tpu.memref_slice %arg5[%multiple_of3A_135] : memref<1048576xf32, #tpu.memory_space<hbm>> -> memref<512xf32, #tpu.memory_space<hbm>>
        %dma_wait3A_137 = tpu.memref_slice %arg5[%multiple_of3A_135] : memref<1048576xf32, #tpu.memory_space<hbm>> -> memref<512xf32, #tpu.memory_space<hbm>>
        tpu.wait_dma2 semaphore(%arg23 : memref<!tpu.dma_semaphore, #tpu.memory_space<semaphore_mem>>) src(%arg16 : memref<512xf32, #tpu.memory_space<vmem>>) dst(%dma_wait3A_137 : memref<512xf32, #tpu.memory_space<hbm>>)
      } else {
      }
      %scan3A_91 = arith.constant 0 : i32
      %scan3A_92 = arith.constant 0 : i32
      %scan3A_93 = arith.constant 32 : i32
      %scan3A_94 = arith.addi %scan3A_92, %scan3A_93 : i32
      %scan3A_95 = arith.constant 2 : i32
      scf.for %scan3A_131 = %scan3A_92 to %scan3A_94 step %scan3A_95  : i32 {
        %mul3A_132 = arith.constant 16 : i32
        %mul3A_133 = arith.muli %scan3A_131, %mul3A_132 : i32
        %mul3A_134 = arith.constant 16 : i32
        %mul3A_135 = arith.muli %scan3A_131, %mul3A_134 : i32
        %get3A_136 = arith.index_cast %mul3A_135 : i32 to index
        %get3A_137 = tpu.vector_load %arg10[%get3A_136] {strides = array<i32>} : memref<2048xf32, #tpu.memory_space<vmem>>, vector<16xf32>,
        %mul3A_138 = arith.constant 16 : i32
        %mul3A_139 = arith.muli %scan3A_131, %mul3A_138 : i32
        %add3A_140 = arith.constant 512 : i32
        %add3A_141 = arith.addi %add3A_140, %mul3A_139 : i32
        %get3A_142 = arith.index_cast %add3A_141 : i32 to index
        %get3A_143 = tpu.vector_load %arg10[%get3A_142] {strides = array<i32>} : memref<2048xf32, #tpu.memory_space<vmem>>, vector<16xf32>,
        %mul3A_144 = arith.constant 16 : i32
        %mul3A_145 = arith.muli %scan3A_131, %mul3A_144 : i32
        %add3A_146 = arith.constant 1024 : i32
        %add3A_147 = arith.addi %add3A_146, %mul3A_145 : i32
        %get3A_148 = arith.index_cast %add3A_147 : i32 to index
        %get3A_149 = tpu.vector_load %arg10[%get3A_148] {strides = array<i32>} : memref<2048xf32, #tpu.memory_space<vmem>>, vector<16xf32>,
        %mul3A_150 = arith.constant 16 : i32
        %mul3A_151 = arith.muli %scan3A_131, %mul3A_150 : i32
        %add3A_152 = arith.constant 1536 : i32
        %add3A_153 = arith.addi %add3A_152, %mul3A_151 : i32
        %get3A_154 = arith.index_cast %add3A_153 : i32 to index
        %get3A_155 = tpu.vector_load %arg10[%get3A_154] {strides = array<i32>} : memref<2048xf32, #tpu.memory_space<vmem>>, vector<16xf32>,
        %get3A_156 = arith.index_cast %mul3A_133 : i32 to index
        %get3A_157 = tpu.vector_load %arg14[%get3A_156] {strides = array<i32>} : memref<512xf32, #tpu.memory_space<vmem>>, vector<16xf32>,
        %get3A_158 = arith.index_cast %mul3A_133 : i32 to index
        %get3A_159 = tpu.vector_load %arg12[%get3A_158] {strides = array<i32>} : memref<512xf32, #tpu.memory_space<vmem>>, vector<16xf32>,
        %sub3A = arith.subf %get3A_143, %get3A_137 : vector<16xf32>
        %mul3A_160 = arith.mulf %get3A_157, %sub3A : vector<16xf32>
        %add3A_161 = arith.addf %get3A_137, %mul3A_160 : vector<16xf32>
        %sub3A_162 = arith.subf %get3A_155, %get3A_149 : vector<16xf32>
        %mul3A_163 = arith.mulf %get3A_157, %sub3A_162 : vector<16xf32>
        %add3A_164 = arith.addf %get3A_149, %mul3A_163 : vector<16xf32>
        %sub3A_165 = arith.subf %add3A_164, %add3A_161 : vector<16xf32>
        %mul3A_166 = arith.mulf %get3A_159, %sub3A_165 : vector<16xf32>
        %add3A_167 = arith.addf %add3A_161, %mul3A_166 : vector<16xf32>
        %swap3A = arith.index_cast %mul3A_133 : i32 to index
        %swap3A_168 = tpu.vector_load %arg16[%swap3A] {strides = array<i32>} : memref<512xf32, #tpu.memory_space<vmem>>, vector<16xf32>,
        tpu.vector_store %arg16[%swap3A], %add3A_167 {strides = array<i32>} : memref<512xf32, #tpu.memory_space<vmem>>, vector<16xf32>,
        %scan3A_169 = arith.constant 1 : i32
        %scan3A_170 = arith.addi %scan3A_131, %scan3A_169 : i32
        %mul3A_171 = arith.constant 16 : i32
        %mul3A_172 = arith.muli %scan3A_170, %mul3A_171 : i32
        %mul3A_173 = arith.constant 16 : i32
        %mul3A_174 = arith.muli %scan3A_170, %mul3A_173 : i32
        %get3A_175 = arith.index_cast %mul3A_174 : i32 to index
        %get3A_176 = tpu.vector_load %arg10[%get3A_175] {strides = array<i32>} : memref<2048xf32, #tpu.memory_space<vmem>>, vector<16xf32>,
        %mul3A_177 = arith.constant 16 : i32
        %mul3A_178 = arith.muli %scan3A_170, %mul3A_177 : i32
        %add3A_179 = arith.constant 512 : i32
        %add3A_180 = arith.addi %add3A_179, %mul3A_178 : i32
        %get3A_181 = arith.index_cast %add3A_180 : i32 to index
        %get3A_182 = tpu.vector_load %arg10[%get3A_181] {strides = array<i32>} : memref<2048xf32, #tpu.memory_space<vmem>>, vector<16xf32>,
        %mul3A_183 = arith.constant 16 : i32
        %mul3A_184 = arith.muli %scan3A_170, %mul3A_183 : i32
        %add3A_185 = arith.constant 1024 : i32
        %add3A_186 = arith.addi %add3A_185, %mul3A_184 : i32
        %get3A_187 = arith.index_cast %add3A_186 : i32 to index
        %get3A_188 = tpu.vector_load %arg10[%get3A_187] {strides = array<i32>} : memref<2048xf32, #tpu.memory_space<vmem>>, vector<16xf32>,
        %mul3A_189 = arith.constant 16 : i32
        %mul3A_190 = arith.muli %scan3A_170, %mul3A_189 : i32
        %add3A_191 = arith.constant 1536 : i32
        %add3A_192 = arith.addi %add3A_191, %mul3A_190 : i32
        %get3A_193 = arith.index_cast %add3A_192 : i32 to index
        %get3A_194 = tpu.vector_load %arg10[%get3A_193] {strides = array<i32>} : memref<2048xf32, #tpu.memory_space<vmem>>, vector<16xf32>,
        %get3A_195 = arith.index_cast %mul3A_172 : i32 to index
        %get3A_196 = tpu.vector_load %arg14[%get3A_195] {strides = array<i32>} : memref<512xf32, #tpu.memory_space<vmem>>, vector<16xf32>,
        %get3A_197 = arith.index_cast %mul3A_172 : i32 to index
        %get3A_198 = tpu.vector_load %arg12[%get3A_197] {strides = array<i32>} : memref<512xf32, #tpu.memory_space<vmem>>, vector<16xf32>,
        %sub3A_199 = arith.subf %get3A_182, %get3A_176 : vector<16xf32>
        %mul3A_200 = arith.mulf %get3A_196, %sub3A_199 : vector<16xf32>
        %add3A_201 = arith.addf %get3A_176, %mul3A_200 : vector<16xf32>
        %sub3A_202 = arith.subf %get3A_194, %get3A_188 : vector<16xf32>
        %mul3A_203 = arith.mulf %get3A_196, %sub3A_202 : vector<16xf32>
        %add3A_204 = arith.addf %get3A_188, %mul3A_203 : vector<16xf32>
        %sub3A_205 = arith.subf %add3A_204, %add3A_201 : vector<16xf32>
        %mul3A_206 = arith.mulf %get3A_198, %sub3A_205 : vector<16xf32>
        %add3A_207 = arith.addf %add3A_201, %mul3A_206 : vector<16xf32>
        %swap3A_208 = arith.index_cast %mul3A_172 : i32 to index
        %swap3A_209 = tpu.vector_load %arg16[%swap3A_208] {strides = array<i32>} : memref<512xf32, #tpu.memory_space<vmem>>, vector<16xf32>,
        tpu.vector_store %arg16[%swap3A_208], %add3A_207 {strides = array<i32>} : memref<512xf32, #tpu.memory_space<vmem>>, vector<16xf32>,
      }
      %scan3A_96 = arith.constant 32 : i32
      %mul3A_97 = arith.constant 512 : i32
      %mul3A_98 = arith.muli %mul3A_62, %mul3A_97 : i32
      %add3A_99 = arith.addi %multiple_of3A, %mul3A_98 : i32
      %multiple_of3A_100 = tpu.assume_multiple %add3A_99, 8 : i32
      %dma_start3A_101 = tpu.memref_slice %arg5[%multiple_of3A_100] : memref<1048576xf32, #tpu.memory_space<hbm>> -> memref<512xf32, #tpu.memory_space<hbm>>
      %dma_start3A_102 = tpu.memref_slice %arg5[%multiple_of3A_100] : memref<1048576xf32, #tpu.memory_space<hbm>> -> memref<512xf32, #tpu.memory_space<hbm>>
      tpu.enqueue_dma source(%arg16 : memref<512xf32, #tpu.memory_space<vmem>>) target(%dma_start3A_102 : memref<512xf32, #tpu.memory_space<hbm>>) target_semaphore(%arg23 : memref<!tpu.dma_semaphore, #tpu.memory_space<semaphore_mem>>)
      %add3A_103 = arith.constant 2 : i32
      %add3A_104 = arith.addi %mul3A_62, %add3A_103 : i32
      %lt3A_105 = arith.constant 64 : i32
      %lt3A_106 = arith.cmpi slt, %add3A_104, %lt3A_105 : i32
      %convert_element_type3A_107 = arith.extui %lt3A_106 : i1 to i32
      %cond3A_108 = arith.constant 0 : i32
      %cond3A_109 = arith.cmpi ne, %convert_element_type3A_107, %cond3A_108 : i32
      scf.if %cond3A_109 {
        %add3A_131 = arith.constant 2 : i32
        %add3A_132 = arith.addi %mul3A_62, %add3A_131 : i32
        %mul3A_133 = arith.constant 512 : i32
        %mul3A_134 = arith.muli %add3A_132, %mul3A_133 : i32
        %add3A_135 = arith.addi %multiple_of3A, %mul3A_134 : i32
        %multiple_of3A_136 = tpu.assume_multiple %add3A_135, 8 : i32
        %mul3A_137 = arith.constant 2 : i32
        %mul3A_138 = arith.muli %mul3A_137, %multiple_of3A_136 : i32
        %dma_wait3A_139 = tpu.memref_slice %arg2[%mul3A_138] : memref<2097152xf32, #tpu.memory_space<hbm>> -> memref<1024xf32, #tpu.memory_space<hbm>>
        %dma_wait3A_140 = tpu.memref_slice %arg2[%mul3A_138] : memref<2097152xf32, #tpu.memory_space<hbm>> -> memref<1024xf32, #tpu.memory_space<hbm>>
        tpu.wait_dma2 semaphore(%arg21 : memref<!tpu.dma_semaphore, #tpu.memory_space<semaphore_mem>>) src(%dma_wait3A_140 : memref<1024xf32, #tpu.memory_space<hbm>>) dst(%arg6 : memref<1024xf32, #tpu.memory_space<vmem>>)
        %scan3A_141 = arith.constant 0 : i32
        %scan3A_142 = arith.constant 0 : i32
        %scan3A_143 = arith.constant 32 : i32
        %scan3A_144 = arith.addi %scan3A_142, %scan3A_143 : i32
        %scan3A_145 = arith.constant 2 : i32
        scf.for %scan3A_156 = %scan3A_142 to %scan3A_144 step %scan3A_145  : i32 {
          %mul3A_157 = arith.constant 16 : i32
          %mul3A_158 = arith.muli %scan3A_156, %mul3A_157 : i32
          %shift_right_arithmetic3A = arith.constant 3 : i32
          %shift_right_arithmetic3A_159 = arith.shrsi %scan3A_156, %shift_right_arithmetic3A : i32
          %mul3A_160 = arith.constant 256 : i32
          %mul3A_161 = arith.muli %shift_right_arithmetic3A_159, %mul3A_160 : i32
          %and3A = arith.constant 7 : i32
          %and3A_162 = arith.andi %scan3A_156, %and3A : i32
          %mul3A_163 = arith.constant 16 : i32
          %mul3A_164 = arith.muli %and3A_162, %mul3A_163 : i32
          %add3A_165 = arith.addi %mul3A_161, %mul3A_164 : i32
          %get3A_166 = arith.index_cast %add3A_165 : i32 to index
          %get3A_167 = tpu.vector_load %arg6[%get3A_166] {strides = array<i32>} : memref<1024xf32, #tpu.memory_space<vmem>>, vector<16xf32>,
          %mul3A_168 = arith.mulf %get3A_167, %get3A_5 : vector<16xf32>
          %add3A_169 = arith.addf %mul3A_168, %get3A_13 : vector<16xf32>
          %add3A_170 = arith.constant 128 : i32
          %add3A_171 = arith.addi %add3A_165, %add3A_170 : i32
          %get3A_172 = arith.index_cast %add3A_171 : i32 to index
          %get3A_173 = tpu.vector_load %arg6[%get3A_172] {strides = array<i32>} : memref<1024xf32, #tpu.memory_space<vmem>>, vector<16xf32>,
          %mul3A_174 = arith.mulf %get3A_173, %get3A_9 : vector<16xf32>
          %add3A_175 = arith.addf %mul3A_174, %get3A_17 : vector<16xf32>
          %convert_element_type3A_176 = arith.fptosi %add3A_169 : vector<16xf32> to vector<16xi32>
          %min3A = arith.constant 4094 : i32
          %min3A_177 = vector.broadcast %min3A : i32 to vector<16xi32>
          %min3A_178 = arith.minsi %convert_element_type3A_176, %min3A_177 : vector<16xi32>
          %convert_element_type3A_179 = arith.fptosi %add3A_175 : vector<16xf32> to vector<16xi32>
          %min3A_180 = arith.constant 4094 : i32
          %min3A_181 = vector.broadcast %min3A_180 : i32 to vector<16xi32>
          %min3A_182 = arith.minsi %convert_element_type3A_179, %min3A_181 : vector<16xi32>
          %convert_element_type3A_183 = arith.sitofp %min3A_178 : vector<16xi32> to vector<16xf32>
          %sub3A = arith.subf %add3A_169, %convert_element_type3A_183 : vector<16xf32>
          %swap3A = arith.index_cast %mul3A_158 : i32 to index
          %swap3A_184 = tpu.vector_load %arg12[%swap3A] {strides = array<i32>} : memref<512xf32, #tpu.memory_space<vmem>>, vector<16xf32>,
          tpu.vector_store %arg12[%swap3A], %sub3A {strides = array<i32>} : memref<512xf32, #tpu.memory_space<vmem>>, vector<16xf32>,
          %convert_element_type3A_185 = arith.sitofp %min3A_182 : vector<16xi32> to vector<16xf32>
          %sub3A_186 = arith.subf %add3A_175, %convert_element_type3A_185 : vector<16xf32>
          %swap3A_187 = arith.index_cast %mul3A_158 : i32 to index
          %swap3A_188 = tpu.vector_load %arg14[%swap3A_187] {strides = array<i32>} : memref<512xf32, #tpu.memory_space<vmem>>, vector<16xf32>,
          tpu.vector_store %arg14[%swap3A_187], %sub3A_186 {strides = array<i32>} : memref<512xf32, #tpu.memory_space<vmem>>, vector<16xf32>,
          %mul3A_189 = arith.constant 4096 : i32
          %mul3A_190 = vector.broadcast %mul3A_189 : i32 to vector<16xi32>
          %mul3A_191 = arith.muli %min3A_178, %mul3A_190 : vector<16xi32>
          %add3A_192 = arith.addi %mul3A_191, %min3A_182 : vector<16xi32>
          %mul3A_193 = arith.constant 16 : i32
          %mul3A_194 = arith.muli %scan3A_156, %mul3A_193 : i32
          %swap3A_195 = arith.index_cast %mul3A_194 : i32 to index
          %swap3A_196 = tpu.vector_load %arg8[%swap3A_195] {strides = array<i32>} : memref<2048xi32, #tpu.memory_space<vmem>>, vector<16xi32>,
          tpu.vector_store %arg8[%swap3A_195], %add3A_192 {strides = array<i32>} : memref<2048xi32, #tpu.memory_space<vmem>>, vector<16xi32>,
          %add3A_197 = arith.constant 1 : i32
          %add3A_198 = vector.broadcast %add3A_197 : i32 to vector<16xi32>
          %add3A_199 = arith.addi %add3A_192, %add3A_198 : vector<16xi32>
          %mul3A_200 = arith.constant 16 : i32
          %mul3A_201 = arith.muli %scan3A_156, %mul3A_200 : i32
          %add3A_202 = arith.constant 512 : i32
          %add3A_203 = arith.addi %add3A_202, %mul3A_201 : i32
          %swap3A_204 = arith.index_cast %add3A_203 : i32 to index
          %swap3A_205 = tpu.vector_load %arg8[%swap3A_204] {strides = array<i32>} : memref<2048xi32, #tpu.memory_space<vmem>>, vector<16xi32>,
          tpu.vector_store %arg8[%swap3A_204], %add3A_199 {strides = array<i32>} : memref<2048xi32, #tpu.memory_space<vmem>>, vector<16xi32>,
          %add3A_206 = arith.constant 4096 : i32
          %add3A_207 = vector.broadcast %add3A_206 : i32 to vector<16xi32>
          %add3A_208 = arith.addi %add3A_192, %add3A_207 : vector<16xi32>
          %mul3A_209 = arith.constant 16 : i32
          %mul3A_210 = arith.muli %scan3A_156, %mul3A_209 : i32
          %add3A_211 = arith.constant 1024 : i32
          %add3A_212 = arith.addi %add3A_211, %mul3A_210 : i32
          %swap3A_213 = arith.index_cast %add3A_212 : i32 to index
          %swap3A_214 = tpu.vector_load %arg8[%swap3A_213] {strides = array<i32>} : memref<2048xi32, #tpu.memory_space<vmem>>, vector<16xi32>,
          tpu.vector_store %arg8[%swap3A_213], %add3A_208 {strides = array<i32>} : memref<2048xi32, #tpu.memory_space<vmem>>, vector<16xi32>,
          %add3A_215 = arith.constant 4097 : i32
          %add3A_216 = vector.broadcast %add3A_215 : i32 to vector<16xi32>
          %add3A_217 = arith.addi %add3A_192, %add3A_216 : vector<16xi32>
          %mul3A_218 = arith.constant 16 : i32
          %mul3A_219 = arith.muli %scan3A_156, %mul3A_218 : i32
          %add3A_220 = arith.constant 1536 : i32
          %add3A_221 = arith.addi %add3A_220, %mul3A_219 : i32
          %swap3A_222 = arith.index_cast %add3A_221 : i32 to index
          %swap3A_223 = tpu.vector_load %arg8[%swap3A_222] {strides = array<i32>} : memref<2048xi32, #tpu.memory_space<vmem>>, vector<16xi32>,
          tpu.vector_store %arg8[%swap3A_222], %add3A_217 {strides = array<i32>} : memref<2048xi32, #tpu.memory_space<vmem>>, vector<16xi32>,
          %scan3A_224 = arith.constant 1 : i32
          %scan3A_225 = arith.addi %scan3A_156, %scan3A_224 : i32
          %mul3A_226 = arith.constant 16 : i32
          %mul3A_227 = arith.muli %scan3A_225, %mul3A_226 : i32
          %shift_right_arithmetic3A_228 = arith.constant 3 : i32
          %shift_right_arithmetic3A_229 = arith.shrsi %scan3A_225, %shift_right_arithmetic3A_228 : i32
          %mul3A_230 = arith.constant 256 : i32
          %mul3A_231 = arith.muli %shift_right_arithmetic3A_229, %mul3A_230 : i32
          %and3A_232 = arith.constant 7 : i32
          %and3A_233 = arith.andi %scan3A_225, %and3A_232 : i32
          %mul3A_234 = arith.constant 16 : i32
          %mul3A_235 = arith.muli %and3A_233, %mul3A_234 : i32
          %add3A_236 = arith.addi %mul3A_231, %mul3A_235 : i32
          %get3A_237 = arith.index_cast %add3A_236 : i32 to index
          %get3A_238 = tpu.vector_load %arg6[%get3A_237] {strides = array<i32>} : memref<1024xf32, #tpu.memory_space<vmem>>, vector<16xf32>,
          %mul3A_239 = arith.mulf %get3A_238, %get3A_5 : vector<16xf32>
          %add3A_240 = arith.addf %mul3A_239, %get3A_13 : vector<16xf32>
          %add3A_241 = arith.constant 128 : i32
          %add3A_242 = arith.addi %add3A_236, %add3A_241 : i32
          %get3A_243 = arith.index_cast %add3A_242 : i32 to index
          %get3A_244 = tpu.vector_load %arg6[%get3A_243] {strides = array<i32>} : memref<1024xf32, #tpu.memory_space<vmem>>, vector<16xf32>,
          %mul3A_245 = arith.mulf %get3A_244, %get3A_9 : vector<16xf32>
          %add3A_246 = arith.addf %mul3A_245, %get3A_17 : vector<16xf32>
          %convert_element_type3A_247 = arith.fptosi %add3A_240 : vector<16xf32> to vector<16xi32>
          %min3A_248 = arith.constant 4094 : i32
          %min3A_249 = vector.broadcast %min3A_248 : i32 to vector<16xi32>
          %min3A_250 = arith.minsi %convert_element_type3A_247, %min3A_249 : vector<16xi32>
          %convert_element_type3A_251 = arith.fptosi %add3A_246 : vector<16xf32> to vector<16xi32>
          %min3A_252 = arith.constant 4094 : i32
          %min3A_253 = vector.broadcast %min3A_252 : i32 to vector<16xi32>
          %min3A_254 = arith.minsi %convert_element_type3A_251, %min3A_253 : vector<16xi32>
          %convert_element_type3A_255 = arith.sitofp %min3A_250 : vector<16xi32> to vector<16xf32>
          %sub3A_256 = arith.subf %add3A_240, %convert_element_type3A_255 : vector<16xf32>
          %swap3A_257 = arith.index_cast %mul3A_227 : i32 to index
          %swap3A_258 = tpu.vector_load %arg12[%swap3A_257] {strides = array<i32>} : memref<512xf32, #tpu.memory_space<vmem>>, vector<16xf32>,
          tpu.vector_store %arg12[%swap3A_257], %sub3A_256 {strides = array<i32>} : memref<512xf32, #tpu.memory_space<vmem>>, vector<16xf32>,
          %convert_element_type3A_259 = arith.sitofp %min3A_254 : vector<16xi32> to vector<16xf32>
          %sub3A_260 = arith.subf %add3A_246, %convert_element_type3A_259 : vector<16xf32>
          %swap3A_261 = arith.index_cast %mul3A_227 : i32 to index
          %swap3A_262 = tpu.vector_load %arg14[%swap3A_261] {strides = array<i32>} : memref<512xf32, #tpu.memory_space<vmem>>, vector<16xf32>,
          tpu.vector_store %arg14[%swap3A_261], %sub3A_260 {strides = array<i32>} : memref<512xf32, #tpu.memory_space<vmem>>, vector<16xf32>,
          %mul3A_263 = arith.constant 4096 : i32
          %mul3A_264 = vector.broadcast %mul3A_263 : i32 to vector<16xi32>
          %mul3A_265 = arith.muli %min3A_250, %mul3A_264 : vector<16xi32>
          %add3A_266 = arith.addi %mul3A_265, %min3A_254 : vector<16xi32>
          %mul3A_267 = arith.constant 16 : i32
          %mul3A_268 = arith.muli %scan3A_225, %mul3A_267 : i32
          %swap3A_269 = arith.index_cast %mul3A_268 : i32 to index
          %swap3A_270 = tpu.vector_load %arg8[%swap3A_269] {strides = array<i32>} : memref<2048xi32, #tpu.memory_space<vmem>>, vector<16xi32>,
          tpu.vector_store %arg8[%swap3A_269], %add3A_266 {strides = array<i32>} : memref<2048xi32, #tpu.memory_space<vmem>>, vector<16xi32>,
          %add3A_271 = arith.constant 1 : i32
          %add3A_272 = vector.broadcast %add3A_271 : i32 to vector<16xi32>
          %add3A_273 = arith.addi %add3A_266, %add3A_272 : vector<16xi32>
          %mul3A_274 = arith.constant 16 : i32
          %mul3A_275 = arith.muli %scan3A_225, %mul3A_274 : i32
          %add3A_276 = arith.constant 512 : i32
          %add3A_277 = arith.addi %add3A_276, %mul3A_275 : i32
          %swap3A_278 = arith.index_cast %add3A_277 : i32 to index
          %swap3A_279 = tpu.vector_load %arg8[%swap3A_278] {strides = array<i32>} : memref<2048xi32, #tpu.memory_space<vmem>>, vector<16xi32>,
          tpu.vector_store %arg8[%swap3A_278], %add3A_273 {strides = array<i32>} : memref<2048xi32, #tpu.memory_space<vmem>>, vector<16xi32>,
          %add3A_280 = arith.constant 4096 : i32
          %add3A_281 = vector.broadcast %add3A_280 : i32 to vector<16xi32>
          %add3A_282 = arith.addi %add3A_266, %add3A_281 : vector<16xi32>
          %mul3A_283 = arith.constant 16 : i32
          %mul3A_284 = arith.muli %scan3A_225, %mul3A_283 : i32
          %add3A_285 = arith.constant 1024 : i32
          %add3A_286 = arith.addi %add3A_285, %mul3A_284 : i32
          %swap3A_287 = arith.index_cast %add3A_286 : i32 to index
          %swap3A_288 = tpu.vector_load %arg8[%swap3A_287] {strides = array<i32>} : memref<2048xi32, #tpu.memory_space<vmem>>, vector<16xi32>,
          tpu.vector_store %arg8[%swap3A_287], %add3A_282 {strides = array<i32>} : memref<2048xi32, #tpu.memory_space<vmem>>, vector<16xi32>,
          %add3A_289 = arith.constant 4097 : i32
          %add3A_290 = vector.broadcast %add3A_289 : i32 to vector<16xi32>
          %add3A_291 = arith.addi %add3A_266, %add3A_290 : vector<16xi32>
          %mul3A_292 = arith.constant 16 : i32
          %mul3A_293 = arith.muli %scan3A_225, %mul3A_292 : i32
          %add3A_294 = arith.constant 1536 : i32
          %add3A_295 = arith.addi %add3A_294, %mul3A_293 : i32
          %swap3A_296 = arith.index_cast %add3A_295 : i32 to index
          %swap3A_297 = tpu.vector_load %arg8[%swap3A_296] {strides = array<i32>} : memref<2048xi32, #tpu.memory_space<vmem>>, vector<16xi32>,
          tpu.vector_store %arg8[%swap3A_296], %add3A_291 {strides = array<i32>} : memref<2048xi32, #tpu.memory_space<vmem>>, vector<16xi32>,
        }
        %scan3A_146 = arith.constant 32 : i32
        %dma_start3A_147 = arith.constant 0 : i32
        %dma_start3A_148 = tpu.memref_slice %arg3[%dma_start3A_147] : memref<16777216xf32, #tpu.memory_space<hbm>> -> memref<16777216xf32, #tpu.memory_space<hbm>>
        tpu.enqueue_indirect_dma source(%dma_start3A_148 : memref<16777216xf32, #tpu.memory_space<hbm>>) target(%arg10 : memref<2048xf32, #tpu.memory_space<vmem>>) offsets(%arg8 : memref<2048xi32, #tpu.memory_space<vmem>>) semaphore(%arg19 : memref<!tpu.dma_semaphore, #tpu.memory_space<semaphore_mem>>)
        %add3A_149 = arith.constant 3 : i32
        %add3A_150 = arith.addi %mul3A_62, %add3A_149 : i32
        %lt3A_151 = arith.constant 64 : i32
        %lt3A_152 = arith.cmpi slt, %add3A_150, %lt3A_151 : i32
        %convert_element_type3A_153 = arith.extui %lt3A_152 : i1 to i32
        %cond3A_154 = arith.constant 0 : i32
        %cond3A_155 = arith.cmpi ne, %convert_element_type3A_153, %cond3A_154 : i32
        scf.if %cond3A_155 {
          %mul3A_156 = arith.constant 512 : i32
          %mul3A_157 = arith.muli %add3A_150, %mul3A_156 : i32
          %add3A_158 = arith.addi %multiple_of3A, %mul3A_157 : i32
          %multiple_of3A_159 = tpu.assume_multiple %add3A_158, 8 : i32
          %mul3A_160 = arith.constant 2 : i32
          %mul3A_161 = arith.muli %mul3A_160, %multiple_of3A_159 : i32
          %dma_start3A_162 = tpu.memref_slice %arg2[%mul3A_161] : memref<2097152xf32, #tpu.memory_space<hbm>> -> memref<1024xf32, #tpu.memory_space<hbm>>
          %dma_start3A_163 = tpu.memref_slice %arg2[%mul3A_161] : memref<2097152xf32, #tpu.memory_space<hbm>> -> memref<1024xf32, #tpu.memory_space<hbm>>
          tpu.enqueue_dma source(%dma_start3A_163 : memref<1024xf32, #tpu.memory_space<hbm>>) target(%arg7 : memref<1024xf32, #tpu.memory_space<vmem>>) target_semaphore(%arg22 : memref<!tpu.dma_semaphore, #tpu.memory_space<semaphore_mem>>)
        } else {
        }
      } else {
      }
      %add3A_110 = arith.constant 1 : i32
      %add3A_111 = arith.addi %mul3A_62, %add3A_110 : i32
      %dma_wait3A_112 = arith.constant 0 : i32
      %dma_wait3A_113 = tpu.memref_slice %arg3[%dma_wait3A_112] : memref<16777216xf32, #tpu.memory_space<hbm>> -> memref<16777216xf32, #tpu.memory_space<hbm>>
      tpu.wait_indirect_dma semaphore(%arg20 : memref<!tpu.dma_semaphore, #tpu.memory_space<semaphore_mem>>) src(%dma_wait3A_113 : memref<16777216xf32, #tpu.memory_space<hbm>>) dst(%arg11 : memref<2048xf32, #tpu.memory_space<vmem>>)
      %ge3A_114 = arith.constant 2 : i32
      %ge3A_115 = arith.cmpi sge, %add3A_111, %ge3A_114 : i32
      %convert_element_type3A_116 = arith.extui %ge3A_115 : i1 to i32
      %cond3A_117 = arith.constant 0 : i32
      %cond3A_118 = arith.cmpi ne, %convert_element_type3A_116, %cond3A_117 : i32
      scf.if %cond3A_118 {
        %sub3A = arith.constant 2 : i32
        %sub3A_131 = arith.subi %add3A_111, %sub3A : i32
        %mul3A_132 = arith.constant 512 : i32
        %mul3A_133 = arith.muli %sub3A_131, %mul3A_132 : i32
        %add3A_134 = arith.addi %multiple_of3A, %mul3A_133 : i32
        %multiple_of3A_135 = tpu.assume_multiple %add3A_134, 8 : i32
        %dma_wait3A_136 = tpu.memref_slice %arg5[%multiple_of3A_135] : memref<1048576xf32, #tpu.memory_space<hbm>> -> memref<512xf32, #tpu.memory_space<hbm>>
        %dma_wait3A_137 = tpu.memref_slice %arg5[%multiple_of3A_135] : memref<1048576xf32, #tpu.memory_space<hbm>> -> memref<512xf32, #tpu.memory_space<hbm>>
        tpu.wait_dma2 semaphore(%arg24 : memref<!tpu.dma_semaphore, #tpu.memory_space<semaphore_mem>>) src(%arg17 : memref<512xf32, #tpu.memory_space<vmem>>) dst(%dma_wait3A_137 : memref<512xf32, #tpu.memory_space<hbm>>)
      } else {
      }
      %scan3A_119 = arith.constant 0 : i32
      %scan3A_120 = arith.constant 0 : i32
      %scan3A_121 = arith.constant 32 : i32
      %scan3A_122 = arith.addi %scan3A_120, %scan3A_121 : i32
      %scan3A_123 = arith.constant 2 : i32
      scf.for %scan3A_131 = %scan3A_120 to %scan3A_122 step %scan3A_123  : i32 {
        %mul3A_132 = arith.constant 16 : i32
        %mul3A_133 = arith.muli %scan3A_131, %mul3A_132 : i32
        %mul3A_134 = arith.constant 16 : i32
        %mul3A_135 = arith.muli %scan3A_131, %mul3A_134 : i32
        %get3A_136 = arith.index_cast %mul3A_135 : i32 to index
        %get3A_137 = tpu.vector_load %arg11[%get3A_136] {strides = array<i32>} : memref<2048xf32, #tpu.memory_space<vmem>>, vector<16xf32>,
        %mul3A_138 = arith.constant 16 : i32
        %mul3A_139 = arith.muli %scan3A_131, %mul3A_138 : i32
        %add3A_140 = arith.constant 512 : i32
        %add3A_141 = arith.addi %add3A_140, %mul3A_139 : i32
        %get3A_142 = arith.index_cast %add3A_141 : i32 to index
        %get3A_143 = tpu.vector_load %arg11[%get3A_142] {strides = array<i32>} : memref<2048xf32, #tpu.memory_space<vmem>>, vector<16xf32>,
        %mul3A_144 = arith.constant 16 : i32
        %mul3A_145 = arith.muli %scan3A_131, %mul3A_144 : i32
        %add3A_146 = arith.constant 1024 : i32
        %add3A_147 = arith.addi %add3A_146, %mul3A_145 : i32
        %get3A_148 = arith.index_cast %add3A_147 : i32 to index
        %get3A_149 = tpu.vector_load %arg11[%get3A_148] {strides = array<i32>} : memref<2048xf32, #tpu.memory_space<vmem>>, vector<16xf32>,
        %mul3A_150 = arith.constant 16 : i32
        %mul3A_151 = arith.muli %scan3A_131, %mul3A_150 : i32
        %add3A_152 = arith.constant 1536 : i32
        %add3A_153 = arith.addi %add3A_152, %mul3A_151 : i32
        %get3A_154 = arith.index_cast %add3A_153 : i32 to index
        %get3A_155 = tpu.vector_load %arg11[%get3A_154] {strides = array<i32>} : memref<2048xf32, #tpu.memory_space<vmem>>, vector<16xf32>,
        %get3A_156 = arith.index_cast %mul3A_133 : i32 to index
        %get3A_157 = tpu.vector_load %arg15[%get3A_156] {strides = array<i32>} : memref<512xf32, #tpu.memory_space<vmem>>, vector<16xf32>,
        %get3A_158 = arith.index_cast %mul3A_133 : i32 to index
        %get3A_159 = tpu.vector_load %arg13[%get3A_158] {strides = array<i32>} : memref<512xf32, #tpu.memory_space<vmem>>, vector<16xf32>,
        %sub3A = arith.subf %get3A_143, %get3A_137 : vector<16xf32>
        %mul3A_160 = arith.mulf %get3A_157, %sub3A : vector<16xf32>
        %add3A_161 = arith.addf %get3A_137, %mul3A_160 : vector<16xf32>
        %sub3A_162 = arith.subf %get3A_155, %get3A_149 : vector<16xf32>
        %mul3A_163 = arith.mulf %get3A_157, %sub3A_162 : vector<16xf32>
        %add3A_164 = arith.addf %get3A_149, %mul3A_163 : vector<16xf32>
        %sub3A_165 = arith.subf %add3A_164, %add3A_161 : vector<16xf32>
        %mul3A_166 = arith.mulf %get3A_159, %sub3A_165 : vector<16xf32>
        %add3A_167 = arith.addf %add3A_161, %mul3A_166 : vector<16xf32>
        %swap3A = arith.index_cast %mul3A_133 : i32 to index
        %swap3A_168 = tpu.vector_load %arg17[%swap3A] {strides = array<i32>} : memref<512xf32, #tpu.memory_space<vmem>>, vector<16xf32>,
        tpu.vector_store %arg17[%swap3A], %add3A_167 {strides = array<i32>} : memref<512xf32, #tpu.memory_space<vmem>>, vector<16xf32>,
        %scan3A_169 = arith.constant 1 : i32
        %scan3A_170 = arith.addi %scan3A_131, %scan3A_169 : i32
        %mul3A_171 = arith.constant 16 : i32
        %mul3A_172 = arith.muli %scan3A_170, %mul3A_171 : i32
        %mul3A_173 = arith.constant 16 : i32
        %mul3A_174 = arith.muli %scan3A_170, %mul3A_173 : i32
        %get3A_175 = arith.index_cast %mul3A_174 : i32 to index
        %get3A_176 = tpu.vector_load %arg11[%get3A_175] {strides = array<i32>} : memref<2048xf32, #tpu.memory_space<vmem>>, vector<16xf32>,
        %mul3A_177 = arith.constant 16 : i32
        %mul3A_178 = arith.muli %scan3A_170, %mul3A_177 : i32
        %add3A_179 = arith.constant 512 : i32
        %add3A_180 = arith.addi %add3A_179, %mul3A_178 : i32
        %get3A_181 = arith.index_cast %add3A_180 : i32 to index
        %get3A_182 = tpu.vector_load %arg11[%get3A_181] {strides = array<i32>} : memref<2048xf32, #tpu.memory_space<vmem>>, vector<16xf32>,
        %mul3A_183 = arith.constant 16 : i32
        %mul3A_184 = arith.muli %scan3A_170, %mul3A_183 : i32
        %add3A_185 = arith.constant 1024 : i32
        %add3A_186 = arith.addi %add3A_185, %mul3A_184 : i32
        %get3A_187 = arith.index_cast %add3A_186 : i32 to index
        %get3A_188 = tpu.vector_load %arg11[%get3A_187] {strides = array<i32>} : memref<2048xf32, #tpu.memory_space<vmem>>, vector<16xf32>,
        %mul3A_189 = arith.constant 16 : i32
        %mul3A_190 = arith.muli %scan3A_170, %mul3A_189 : i32
        %add3A_191 = arith.constant 1536 : i32
        %add3A_192 = arith.addi %add3A_191, %mul3A_190 : i32
        %get3A_193 = arith.index_cast %add3A_192 : i32 to index
        %get3A_194 = tpu.vector_load %arg11[%get3A_193] {strides = array<i32>} : memref<2048xf32, #tpu.memory_space<vmem>>, vector<16xf32>,
        %get3A_195 = arith.index_cast %mul3A_172 : i32 to index
        %get3A_196 = tpu.vector_load %arg15[%get3A_195] {strides = array<i32>} : memref<512xf32, #tpu.memory_space<vmem>>, vector<16xf32>,
        %get3A_197 = arith.index_cast %mul3A_172 : i32 to index
        %get3A_198 = tpu.vector_load %arg13[%get3A_197] {strides = array<i32>} : memref<512xf32, #tpu.memory_space<vmem>>, vector<16xf32>,
        %sub3A_199 = arith.subf %get3A_182, %get3A_176 : vector<16xf32>
        %mul3A_200 = arith.mulf %get3A_196, %sub3A_199 : vector<16xf32>
        %add3A_201 = arith.addf %get3A_176, %mul3A_200 : vector<16xf32>
        %sub3A_202 = arith.subf %get3A_194, %get3A_188 : vector<16xf32>
        %mul3A_203 = arith.mulf %get3A_196, %sub3A_202 : vector<16xf32>
        %add3A_204 = arith.addf %get3A_188, %mul3A_203 : vector<16xf32>
        %sub3A_205 = arith.subf %add3A_204, %add3A_201 : vector<16xf32>
        %mul3A_206 = arith.mulf %get3A_198, %sub3A_205 : vector<16xf32>
        %add3A_207 = arith.addf %add3A_201, %mul3A_206 : vector<16xf32>
        %swap3A_208 = arith.index_cast %mul3A_172 : i32 to index
        %swap3A_209 = tpu.vector_load %arg17[%swap3A_208] {strides = array<i32>} : memref<512xf32, #tpu.memory_space<vmem>>, vector<16xf32>,
        tpu.vector_store %arg17[%swap3A_208], %add3A_207 {strides = array<i32>} : memref<512xf32, #tpu.memory_space<vmem>>, vector<16xf32>,
      }
      %scan3A_124 = arith.constant 32 : i32
      %mul3A_125 = arith.constant 512 : i32
      %mul3A_126 = arith.muli %add3A_111, %mul3A_125 : i32
      %add3A_127 = arith.addi %multiple_of3A, %mul3A_126 : i32
      %multiple_of3A_128 = tpu.assume_multiple %add3A_127, 8 : i32
      %dma_start3A_129 = tpu.memref_slice %arg5[%multiple_of3A_128] : memref<1048576xf32, #tpu.memory_space<hbm>> -> memref<512xf32, #tpu.memory_space<hbm>>
      %dma_start3A_130 = tpu.memref_slice %arg5[%multiple_of3A_128] : memref<1048576xf32, #tpu.memory_space<hbm>> -> memref<512xf32, #tpu.memory_space<hbm>>
      tpu.enqueue_dma source(%arg17 : memref<512xf32, #tpu.memory_space<vmem>>) target(%dma_start3A_130 : memref<512xf32, #tpu.memory_space<hbm>>) target_semaphore(%arg24 : memref<!tpu.dma_semaphore, #tpu.memory_space<semaphore_mem>>)
    }
    %scan3A_49 = arith.constant 32 : i32
    %add3A_50 = arith.constant 31744 : i32
    %add3A_51 = arith.addi %multiple_of3A, %add3A_50 : i32
    %multiple_of3A_52 = tpu.assume_multiple %add3A_51, 8 : i32
    %dma_wait3A_53 = tpu.memref_slice %arg5[%multiple_of3A_52] : memref<1048576xf32, #tpu.memory_space<hbm>> -> memref<512xf32, #tpu.memory_space<hbm>>
    %dma_wait3A_54 = tpu.memref_slice %arg5[%multiple_of3A_52] : memref<1048576xf32, #tpu.memory_space<hbm>> -> memref<512xf32, #tpu.memory_space<hbm>>
    tpu.wait_dma2 semaphore(%arg23 : memref<!tpu.dma_semaphore, #tpu.memory_space<semaphore_mem>>) src(%arg16 : memref<512xf32, #tpu.memory_space<vmem>>) dst(%dma_wait3A_54 : memref<512xf32, #tpu.memory_space<hbm>>)
    %add3A_55 = arith.constant 32256 : i32
    %add3A_56 = arith.addi %multiple_of3A, %add3A_55 : i32
    %multiple_of3A_57 = tpu.assume_multiple %add3A_56, 8 : i32
    %dma_wait3A_58 = tpu.memref_slice %arg5[%multiple_of3A_57] : memref<1048576xf32, #tpu.memory_space<hbm>> -> memref<512xf32, #tpu.memory_space<hbm>>
    %dma_wait3A_59 = tpu.memref_slice %arg5[%multiple_of3A_57] : memref<1048576xf32, #tpu.memory_space<hbm>> -> memref<512xf32, #tpu.memory_space<hbm>>
    tpu.wait_dma2 semaphore(%arg24 : memref<!tpu.dma_semaphore, #tpu.memory_space<semaphore_mem>>) src(%arg17 : memref<512xf32, #tpu.memory_space<vmem>>) dst(%dma_wait3A_59 : memref<512xf32, #tpu.memory_space<hbm>>)
    return
  }
}

</mosaic_0001>

<sc_bundles>
// kernel: kernel.3.cloned.1.call-start
scs
__scs_entry_jumppad:
0x0: {  	(pc) =	sbr.rel $0x88, $3  }
0x1: {  	(tag) =	ssettag $0x0;
	lr =	simm.s32 $0x1  }
0x2: {  	[smem:$0x3F9E] =	sst lr;
	_ =	strace $0xD0000000  }
0x3: {  	_ = 	snop  }
0x4: {  	_ = 	snop  }
0x5: {  	_ = 	snop  }
0x6: {  	_ = 	snop  }
0x7: {  	_ = 	snop  }
__scs_overlays_trampoline_lowered:
0x8: {  	[smem:$0x3FAD] =	sst s0  }
0x9: {  	[smem:$0x3FAE] =	sst s1  }
0xa: {  	[smem:$0x3FAF] =	sst s2  }
0xb: {  	[smem:$0x3FB0] =	sst s3  }
0xc: {  	[smem:$0x3FB1] =	sst s4  }
0xd: {  	[smem:$0x3FB2] =	sst s5  }
0xe: {  	[smem:$0x3FB3] =	sst s6  }
0xf: {  	[smem:$0x3FB4] =	sst s7  }
0x10: {  	[smem:$0x3FB5] =	sst s8  }
0x11: {  	[smem:$0x3FB6] =	sst s9;
	s0 =	simm.s32 @!p0 $0x0  }
0x12: {  	s1 =	sld [smem:$0x3F9C];
	s0 =	simm.s32 @p0 $0x1  }
0x13: {  	[smem:$0x3FB7] =	sst s0;
	s0 =	simm.s32 @!p1 $0x0  }
0x14: {  	s2 =	sld [smem:$0x3F9B];
	s0 =	simm.s32 @p1 $0x1  }
0x15: {  	[smem:$0x3FB8] =	sst s0;
	s0 =	simm.s32 @!p2 $0x0  }
0x16: {  	s3 =	sld [smem:$0x3FDB];
	s0 =	simm.s32 @p2 $0x1  }
0x17: {  	s4 =	simm.s32 $0x1BF5;
	[smem:$0x3FBA] =	sst s0  }
0x18: {  	s0 =	sld [smem:$0x3F9D];
	_ =	swait.ge [sflag:s4], $0x0  }
0x19: {  	s7 =	sld [smem:$0x3F9E]  }
0x1a: {  	s8 =	sadd.s32 $0xFFFFE003, lr  }
0x1b: {  	s9 =	sadd.s32 $0xFFFFFEF7, lr;
	s5 =	simm.s32 $0xFFFFFFFF;
	p2 =	slt.u32 s8, $0xFFFFF086  }
0x1c: {  	p1 =	slt.u32 s9, $0xF7A;
	s5 =	simm.s32 @!p2 $0x0  }
0x1d: {  	s5 =	simm.s32 @p1 $0x1;
	p0 =	seq.s32 s7, s2  }
0x1e: {  	s7 =	smul.u32 @!p0 $0xF7A, s2;
	p2 =	seq.s32 @!p0 s5, $0x0  }
0x1f: {  	s9 =	smul.u32 $0xF7A, s1;
	s8 =	simm.s32 @!p0 $0x1BF5;
	p2 =	por !p2, p0  }
0x20: {  	[sflag:s8] =	ssyncset.s32 @!p0 $0xFFFFF086;
	s6 =	sadd.s32 @!p0 s3, s7;
	s7 =	simm.s32 @!p0 $0x108  }
0x21: {  	s3 =	sadd.s32 s3, s9;
	s6 =	sadd.s32 @!p0 $0x88, s6;
	s7 =	simm.s32 @p2 $0x1082  }
0x22: {  	[simem:s7], [sflag:s8] =	dma.local @!p0 [hbm:s6], $0xF7A  }
0x23: {  	s9 =	sor.u32 $0xD0000000, s2;
	s6 =	simm.s32 $0x108;
	_ =	swait.ge @!p0 [sflag:s8], $0x0  }
0x24: {  	s3 =	sadd.s32 $0x88, s3;
	s6 =	simm.s32 @!p1 $0x1082;
	[sflag:s4] =	ssyncset.s32 $0xFFFFF086  }
0x25: {  	[simem:s6], [sflag:s4] =	dma.local [hbm:s3], $0xF7A  }
0x26: {  	[smem:$0x3F9E] =	sst s1;
	(tag) =	ssettag s2;
	_ =	strace s9  }
0x27: {  	s1 =	sld [smem:$0x3FAE]  }
0x28: {  	s2 =	sld [smem:$0x3FAF]  }
0x29: {  	s4 =	sld [smem:$0x3FB1]  }
0x2a: {  	p0 =	seq.s32 s5, $0x0;
	s5 =	sld [smem:$0x3FB2]  }
0x2b: {  	s6 =	sld [smem:$0x3FB3]  }
0x2c: {  	s7 =	sld [smem:$0x3FB4]  }
0x2d: {  	s3 =	simm.s32 $0x108;
	s8 =	sld [smem:$0x3FB5]  }
0x2e: {  	s3 =	simm.s32 @!p0 $0x1082;
	s9 =	sld [smem:$0x3FB6]  }
0x2f: {  	lr =	sadd.s32 s0, s3;
	s0 =	sld [smem:$0x3FAD]  }
0x30: {  	s3 =	sld [smem:$0x3FB0]  }
0x31: {  	[smem:$0x3FB9] =	sst s10  }
0x32: {  	s10 =	sld [smem:$0x3FB7];
	_ =	sdelay $0x3  }
0x33: {  	p0 =	seq.s32 s10, $0x1;
	s10 =	sld [smem:$0x3FB9];
	_ =	sdelay $0x3  }
0x34: {  	[smem:$0x3FB9] =	sst s10  }
0x35: {  	s10 =	sld [smem:$0x3FB8];
	_ =	sdelay $0x3  }
0x36: {  	p1 =	seq.s32 s10, $0x1;
	s10 =	sld [smem:$0x3FB9];
	_ =	sdelay $0x3  }
0x37: {  	[smem:$0x3FB9] =	sst s10  }
0x38: {  	s10 =	sld [smem:$0x3FBA]  }
0x39: {  	_ = 	snop;
	(pc) =	sbr.ind lr, $3  }
0x3a: {  	_ = 	snop  }
0x3b: {  	_ = 	snop  }
0x3c: {  	p2 =	seq.s32 s10, $0x1;
	s10 =	sld [smem:$0x3FB9]  }
0x3d: {  	_ =	shalt  }
0x3e: {  	_ =	shalt  }
0x3f: {  	_ =	shalt  }
0x40: {  	_ =	shalt  }
0x41: {  	_ =	shalt  }
0x42: {  	_ =	shalt  }
0x43: {  	_ =	shalt  }
0x44: {  	_ =	shalt  }
0x45: {  	_ =	shalt  }
0x46: {  	_ =	shalt  }
0x47: {  	_ =	shalt  }
0x48: {  	_ =	shalt  }
0x49: {  	_ =	shalt  }
0x4a: {  	_ =	shalt  }
0x4b: {  	_ =	shalt  }
0x4c: {  	_ =	shalt  }
0x4d: {  	_ =	shalt  }
0x4e: {  	_ =	shalt  }
0x4f: {  	_ =	shalt  }
0x50: {  	_ =	shalt  }
0x51: {  	_ =	shalt  }
0x52: {  	_ =	shalt  }
0x53: {  	_ =	shalt  }
0x54: {  	_ =	shalt  }
0x55: {  	_ =	shalt  }
0x56: {  	_ =	shalt  }
0x57: {  	_ =	shalt  }
0x58: {  	_ =	shalt  }
0x59: {  	_ =	shalt  }
0x5a: {  	_ =	shalt  }
0x5b: {  	_ =	shalt  }
0x5c: {  	_ =	shalt  }
0x5d: {  	_ =	shalt  }
0x5e: {  	_ =	shalt  }
0x5f: {  	_ =	shalt  }
0x60: {  	_ =	shalt  }
0x61: {  	_ =	shalt  }
0x62: {  	_ =	shalt  }
0x63: {  	_ =	shalt  }
0x64: {  	_ =	shalt  }
0x65: {  	_ =	shalt  }
0x66: {  	_ =	shalt  }
0x67: {  	_ =	shalt  }
0x68: {  	_ =	shalt  }
0x69: {  	_ =	shalt  }
0x6a: {  	_ =	shalt  }
0x6b: {  	_ =	shalt  }
0x6c: {  	_ =	shalt  }
0x6d: {  	_ =	shalt  }
0x6e: {  	_ =	shalt  }
0x6f: {  	_ =	shalt  }
0x70: {  	_ =	shalt  }
0x71: {  	_ =	shalt  }
0x72: {  	_ =	shalt  }
0x73: {  	_ =	shalt  }
0x74: {  	_ =	shalt  }
0x75: {  	_ =	shalt  }
0x76: {  	_ =	shalt  }
0x77: {  	_ =	shalt  }
0x78: {  	_ =	shalt  }
0x79: {  	_ =	shalt  }
0x7a: {  	_ =	shalt  }
0x7b: {  	_ =	shalt  }
0x7c: {  	_ =	shalt  }
0x7d: {  	_ =	shalt  }
0x7e: {  	_ =	shalt  }
0x7f: {  	_ =	shalt  }
0x80: {  	_ =	shalt  }
0x81: {  	_ =	shalt  }
0x82: {  	_ =	shalt  }
0x83: {  	_ =	shalt  }
0x84: {  	_ =	shalt  }
0x85: {  	_ =	shalt  }
0x86: {  	_ =	shalt  }
0x87: {  	_ =	shalt  }
.Lfunc_end0:
.L_simem_size_0:
called_computation_lowered:
.L_overlay_start_0:
0x88: {  	s2 =	sld [smem:$0x3FD9]  }
0x89: {  	s3 =	sld [smem:$0x3FFE];
	_ =	sdelay $0x1  }
0x8a: {  	s1 =	srdreg.scid  }
0x8b: {  	s0 =	sand.u32 $0x1, s1  }
0x8c: {  	s17 =	sshll.u32 s0, $0xA;
	s2 =	sadd.s32 s3, s2  }
0x8d: {  	s2 =	sadd.s32 s2, s17  }
0x8e: {  	[smem:$0x3FC5] =	sst s2  }
0x8f: {  	_ = 	snop  }
0x90: {  	s2 =	sld [smem:$0x3FC9]  }
0x91: {  	s18 =	sld [smem:$0x3FC8]  }
0x92: {  	s4 =	sld [smem:$0x3FD0];
	(tm) =	ssettm $0x1  }
0x93: {  	s5 =	sld [smem:$0x3FFB];
	_ =	sdelay $0x3  }
0x94: {  	_ =	strace s5  }
0x95: {  	s5 =	sld [smem:$0x3FFC];
	_ =	sdelay $0x3  }
0x96: {  	_ =	strace s5  }
0x97: {  	s5 =	sld [smem:$0x3FFD];
	_ =	sdelay $0x3  }
0x98: {  	_ =	strace s5  }
0x99: {  	_ =	strace $0x8FFFFFFF  }
0x9a: {  	s19 =	sld [smem:$0x3FDB];
	_ =	sdelay $0x1  }
0x9b: {  	s6 =	simm.s32 $_scs_section_size  }
0x9c: {  	s7 =	simm.s32 $_size__tile_overlayer_lowered;
	s8 =	simm.s32 $_tile_overlayer_lowered  }
0x9d: {  	s22 =	simm.s32 $0x1BFF;
	s21 =	sshll.u32 s8, $0x1;
	s5 =	sadd.s32 s6, s19  }
0x9e: {  	s9 =	simm.s32 $0x0;
	s20 =	sshll.u32 s7, $0x1;
	s7 =	sadd.s32 s21, s5  }
0x9f: {  	[timem:s9], [sflag:s22] =	dma.local [hbm:s7], s20  }
0xa0: {  	_ =	swait.ge [sflag:s22], s20  }
0xa1: {  	s6 =	ssub.s32 $0x0, s20;
	[sflag:s22] =	ssyncset.done $0x0  }
0xa2: {  	[sflag:s22] =	ssyncadd.s32 s6;
	_ =	sdelay $0x1  }
0xa3: {  	s23 =	simm.s32 $0x1B8B  }
0xa4: {  	_ =	swait.ge [sflag:s23], $0x1  }
0xa5: {  	[sflag:s23] =	ssyncset.done $0x0  }
0xa6: {  	s25 =	simm.s32 $0x1B8E;
	s24 =	sld [smem:$0x3FFE];
	[sflag:s23] =	ssyncadd.s32 $0xFFFFFFFF  }
0xa7: {  	s26 =	simm.s32 $execute0_lowered;
	[smem:$0x3FD2] =	sst s25  }
0xa8: {  	s7 =	sshll.u32 s26, $0x1;
	_ =	strace $0x80000046;
	[dreg:$0x1] =	wrdreg $0xFFFFFFFF  }
0xa9: {  	s28 =	simm.s32 $_size_execute0_lowered;
	s5 =	sadd.s32 s5, s7;
	[dreg:$0x0] =	wrdreg $0x0  }
0xaa: {  	s7 =	sshll.u32 s28, $0x1;
	[dreg:$0x2] =	wrdreg s5  }
0xab: {  	[dreg:$0x3] =	wrdreg s7  }
0xac: {  	[dreg:$0x4] =	wrdreg $0xC0  }
0xad: {  	_ =	task [dreg:s9], $0x5FFFF  }
0xae: {  	[dreg:$0x1] =	wrdreg $0xFFFFFFFF  }
0xaf: {  	[dreg:$0x0] =	wrdreg $0x60  }
0xb0: {  	[dreg:$0x2] =	wrdreg s2  }
0xb1: {  	[dreg:$0x3] =	wrdreg s18  }
0xb2: {  	[dreg:$0x4] =	wrdreg s24  }
0xb3: {  	[dreg:$0x5] =	wrdreg s4  }
0xb4: {  	[dreg:$0x6] =	wrdreg $0x9  }
0xb5: {  	_ =	task.clear_ibuf [dreg:s9], $0x7FFFF;
	_ =	strace $0x90000046  }
0xb6: {  	s29 =	simm.s32 $0x9;
	_ =	strace $0x80000048  }
0xb7: {  	_ =	swait.ge [sflag:s29], $0x1  }
0xb8: {  	[sflag:s29] =	ssyncadd.s32 $0xFFFFFFFF  }
0xb9: {  	_ =	strace $0x90000048  }
0xba: {  	_ =	sfence  }
0xbb: {  	s30 =	sld [smem:$0x0];
	_ =	sdelay $0x2  }
0xbc: {  	s31 =	sshll.u32 s1, $0xD;
	s1 =	sshrl.u32 s1, $0x2  }
0xbd: {  	s3 =	sand.u32 $0x4000, s31;
	s1 =	sadd.s32 s1, s30  }
0xbe: {  	s0 =	sor.u32 s3, s0;
	s1 =	sshll.u32 s1, $0x11  }
0xbf: {  	s0 =	sor.u32 s1, s0  }
0xc0: {  	s0 =	sadd.s32 $0x8F2B, s0  }
0xc1: {  	[sflag:s0] =	ssyncadd.remote.s32 $0x1  }
0xc2: {  	_ =	sfence.sel $0xFFFF  }
0xc3: {  	[dreg:$0x0] =	wrdreg $0xFFFFFFFF;
	(pc) =	sbr.abs _section_cstart, $3  }
0xc4: {  	[dreg:$0x1] =	wrdreg $0xFFFFFFFF  }
0xc5: {  	_ =	task.clear_ibuf [dreg:s9], $0x2FFFF;
	_ =	strace $0x9FFFFFFF  }
0xc6: {  	(tm) =	ssettm $0x7FFFFFFF  }
0xc7: {  	_ =	shalt  }
tec
execute0_lowered:
.L_overlay_start_1:
0x0: {  	(tag) =	ssettag $0x1  }
0x1: {  	s1 =	rddreg [dreg:$0x0]  }
0x2: {  	s2 =	rddreg [dreg:$0x1]  }
0x3: {  	s0 =	rddreg [dreg:$0x2]  }
0x4: {  	s4 =	rddreg [dreg:$0x3]  }
0x5: {  	s3 =	srdreg.scid;
	s5 =	simm.s32 $0x0;
	s6 =	stileid.u32  }
0x6: {  	s15 =	simm.s32 $0x3;
	s16 =	simm.s32 $0x800;
	s19 =	simm.s32 $0x4  }
0x7: {  	s21 =	simm.s32 $0x2000;
	s22 =	simm.s32 $0x1;
	s23 =	simm.s32 $0x3000  }
0x8: {  	s24 =	simm.s32 $0x2;
	s30 =	simm.s32 $0x0;
	s3 =	sand.u32 $0x1, s3  }
0x9: {  	[smem:$0x7FF] =	sst s5;
	s6 =	sshll.u32 s6, $0x10;
	s7 =	sshll.u32 s3, $0xF  }
0xa: {  	s0 =	sadd.s32 $0x600, s0;
	_ =	strace $0x80000047;
	s6 =	sor.u32 s7, s6  }
0xb: {  	[dreg:$0x5] =	wrdreg s0;
	s25 =	ssub.s32 $0x2, s3;
	s26 =	sshrl.u32 s6, $0x2  }
0xc: {  	s28 =	sshrl.u32 s25, $0x1;
	s29 =	sshll.u32 s6, $0x1;
	s8 =	sadd.s32 s1, s26  }
0xd: {  	s0 =	ssub.s32 s25, s28;
	s3 =	sor.u32 $0xC00, s29;
	[dreg:$0x6] =	wrdreg s8  }
0xe: {  	s25 =	simm.s32 $0x6;
	s0 =	smax.u32 s0, $0x1;
	[dreg:$0x8] =	wrdreg s3  }
0xf: {  	s10 =	sor.u32 $0x800, s29;
	s31 =	sadd.s32 $0x80, s8;
	[dreg:$0x9] =	wrdreg s0  }
0x10: {  	s26 =	simm.s32 $0x3200;
	s3 =	simm.s32 $0x0;
	[dreg:$0x7] =	wrdreg s31  }
.LBB2_1:
0x11: {  	[dreg:$0xa] =	wrdreg s3  }
0x12: {  	s0 =	rddreg [dreg:$0x5];
	s14 =	simm.s32 $0x3400;
	s17 =	simm.s32 $0x7  }
0x13: {  	[tilespmem:s14], [sflag:$0x7] =	stream.linear.gather [hbm4b:s0+s5], $0x200, $0x38;
	[tilespmem:$0x3600] =	vst v63  }
0x14: {  	_ =	swait.ge [sflag:s17], $0x200  }
0x15: {  	[sflag:s17] =	ssyncset.done $0x0  }
0x16: {  	[sflag:s17] =	ssyncadd.s32 $0xFFFFFE00  }
0x17: {  	v0 =	vld [tilespmem:$0x3400]  }
0x18: {  	v1 =	vld [tilespmem:$0x3480]  }
0x19: {  	s18 =	rddreg [dreg:$0x6];
	v2 =	vld [tilespmem:$0x3500]  }
0x1a: {  	v3 =	vld [tilespmem:$0x3580];
	[tilespmem:s5], [sflag:$0x3] =	stream.linear.gather [hbm4b:s18+s5], $0x400, $0x38  }
0x1b: {  	s20 =	simm.s32 $0x0;
	_ =	swait.ge [sflag:s15], $0x400  }
0x1c: {  	s29 =	sand.u32 $0x300, s5;
	s7 =	sand.u32 $0x60, s20;
	[sflag:s15] =	ssyncset.done $0x0  }
0x1d: {  	s8 =	sor.u32 s7, s29;
	[sflag:s15] =	ssyncadd.s32 $0xFFFFFC00  }
0x1e: {  	v4 =	vld [tilespmem:s8+$0x0]  }
0x1f: {  	v5 =	vld [tilespmem:s8+$0x80];
	_ =	sdelay $0x3  }
0x20: {  	v4 =	vmul.f32 v4, v0  }
0x21: {  	v5 =	vmul.f32 v5, v1  }
0x22: {  	v4 =	vadd.f32 v4, v2  }
0x23: {  	v5 =	vadd.f32 v5, v3  }
0x24: {  	v6 =	vtrunc.f32 v4  }
0x25: {  	v7 =	vtrunc.f32 v5;
	v6 =	vcvt.f32.s32 v6  }
0x26: {  	v7 =	vcvt.f32.s32 v7  }
0x27: {  	vm0 =	vlt.s32 v6, $0xFFE  }
0x28: {  	vm13 =	vlt.s32 v7, $0xFFE;
	v6 =	vnsel vm0, $0xFFE, v6  }
0x29: {  	v7 =	vnsel vm13, $0xFFE, v7;
	v8 =	vcvt.s32.f32 v6  }
0x2a: {  	v9 =	vcvt.s32.f32 v7  }
0x2b: {  	v4 =	vsub.f32 v4, v8  }
0x2c: {  	s31 =	simm.s32 $0x2810;
	v5 =	vsub.f32 v5, v9  }
0x2d: {  	s11 =	simm.s32 $0x2C10;
	s9 =	sand.u32 $0x180, s20;
	v6 =	vshll.u32 v6, $0xC;
	[tilespmem:s31+$0xFFFFFFF0] =	vst v4  }
0x2e: {  	s0 =	simm.s32 $0x810;
	s12 =	sor.u32 $0xA00, s9;
	v4 =	vadd.s32 v7, v6;
	[tilespmem:s11+$0xFFFFFFF0] =	vst v5  }
0x2f: {  	s14 =	sor.u32 $0xC00, s9;
	s13 =	sor.u32 s7, s12;
	v5 =	vadd.s32 $0x1, v4;
	[tilespmem:s0+$0xFFFFFFF0] =	vst v4  }
0x30: {  	s20 =	sor.u32 s7, s14;
	s17 =	simm.s32 $0x10;
	s18 =	sor.u32 $0xE00, s9;
	[tilespmem:s13+$0x0] =	vst v5;
	v5 =	vadd.s32 $0x1000, v4  }
0x31: {  	s17 =	sand.u32 $0x70, s17;
	s7 =	sor.u32 s7, s18;
	v4 =	vadd.s32 $0x1001, v4;
	[tilespmem:s20+$0x0] =	vst v5  }
0x32: {  	s3 =	sor.u32 s17, s29;
	[tilespmem:s7+$0x0] =	vst v4  }
0x33: {  	v4 =	vld [tilespmem:s3+$0x0]  }
0x34: {  	v5 =	vld [tilespmem:s3+$0x80];
	_ =	sdelay $0x3  }
0x35: {  	v4 =	vmul.f32 v4, v0  }
0x36: {  	v5 =	vmul.f32 v5, v1  }
0x37: {  	v4 =	vadd.f32 v4, v2  }
0x38: {  	v5 =	vadd.f32 v5, v3  }
0x39: {  	v6 =	vtrunc.f32 v4  }
0x3a: {  	v7 =	vtrunc.f32 v5;
	v6 =	vcvt.f32.s32 v6  }
0x3b: {  	v7 =	vcvt.f32.s32 v7  }
0x3c: {  	vm14 =	vlt.s32 v6, $0xFFE  }
0x3d: {  	vm15 =	vlt.s32 v7, $0xFFE;
	v6 =	vnsel vm14, $0xFFE, v6  }
0x3e: {  	v7 =	vnsel vm15, $0xFFE, v7;
	v62 =	vcvt.s32.f32 v6  }
0x3f: {  	v63 =	vcvt.s32.f32 v7  }
0x40: {  	v4 =	vsub.f32 v4, v62  }
0x41: {  	v5 =	vsub.f32 v5, v63  }
0x42: {  	v6 =	vshll.u32 v6, $0xC;
	[tilespmem:s31+$0x0] =	vst v4  }
0x43: {  	s9 =	simm.s32 $0x2;
	s29 =	sor.u32 s17, s12;
	s12 =	simm.s32 $0x40;
	v4 =	vadd.s32 v7, v6;
	[tilespmem:s11+$0x0] =	vst v5  }
0x44: {  	s8 =	sand.u32 $0x300, s12;
	s13 =	simm.s32 $0x2830;
	s20 =	simm.s32 $0x20;
	v5 =	vadd.s32 $0x1, v4;
	[tilespmem:s0+$0x0] =	vst v4  }
0x45: {  	s7 =	simm.s32 $0x30;
	s28 =	sand.u32 $0x180, s20;
	s31 =	sor.u32 s17, s14;
	[tilespmem:s29+$0x0] =	vst v5;
	v5 =	vadd.s32 $0x1000, v4  }
0x46: {  	s3 =	simm.s32 $0x2C30;
	s14 =	sand.u32 $0x60, s20;
	s11 =	sor.u32 s17, s18;
	v4 =	vadd.s32 $0x1001, v4;
	[tilespmem:s31+$0x0] =	vst v5  }
.LBB2_2:
0x47: {  	s9 =	sadd.s32 $0x2, s9;
	s17 =	sor.u32 s14, s8;
	[tilespmem:s11+$0x0] =	vst v4;
	s0 =	sadd.s32 $0x20, s0  }
0x48: {  	p0 =	slt.u32 s9, $0x1E;
	v4 =	vld [tilespmem:s17+$0x0]  }
0x49: {  	v5 =	vld [tilespmem:s17+$0x80];
	_ =	sdelay $0x3  }
0x4a: {  	v4 =	vmul.f32 v4, v0  }
0x4b: {  	v5 =	vmul.f32 v5, v1  }
0x4c: {  	v4 =	vadd.f32 v4, v2  }
0x4d: {  	v5 =	vadd.f32 v5, v3  }
0x4e: {  	v6 =	vtrunc.f32 v4  }
0x4f: {  	v6 =	vcvt.f32.s32 v6;
	v7 =	vtrunc.f32 v5  }
0x50: {  	v7 =	vcvt.f32.s32 v7  }
0x51: {  	vm0 =	vlt.s32 v6, $0xFFE  }
0x52: {  	v6 =	vnsel vm0, $0xFFE, v6;
	vm0 =	vlt.s32 v7, $0xFFE  }
0x53: {  	v7 =	vnsel vm0, $0xFFE, v7;
	v8 =	vcvt.s32.f32 v6;
	v6 =	vshll.u32 v6, $0xC  }
0x54: {  	v9 =	vcvt.s32.f32 v7;
	v6 =	vadd.s32 v7, v6  }
0x55: {  	v4 =	vsub.f32 v4, v8  }
0x56: {  	v5 =	vsub.f32 v5, v9  }
0x57: {  	[tilespmem:s13+$0xFFFFFFF0] =	vst v4  }
0x58: {  	s18 =	sor.u32 $0xA00, s28;
	[tilespmem:s3+$0xFFFFFFF0] =	vst v5  }
0x59: {  	s11 =	sor.u32 s14, s18;
	s17 =	sor.u32 $0xC00, s28;
	v4 =	vadd.s32 $0x1, v6;
	[tilespmem:s0+$0xFFFFFFF0] =	vst v6  }
0x5a: {  	s29 =	sor.u32 $0xE00, s28;
	[tilespmem:s11+$0x0] =	vst v4;
	v4 =	vadd.s32 $0x1000, v6;
	s11 =	sor.u32 s14, s17  }
0x5b: {  	s14 =	sor.u32 s14, s29;
	[tilespmem:s11+$0x0] =	vst v4;
	v4 =	vadd.s32 $0x1001, v6;
	s11 =	sand.u32 $0x70, s7  }
0x5c: {  	[tilespmem:s14+$0x0] =	vst v4;
	s8 =	sor.u32 s11, s8  }
0x5d: {  	v4 =	vld [tilespmem:s8+$0x0]  }
0x5e: {  	v5 =	vld [tilespmem:s8+$0x80];
	_ =	sdelay $0x3  }
0x5f: {  	v4 =	vmul.f32 v4, v0  }
0x60: {  	v5 =	vmul.f32 v5, v1  }
0x61: {  	v4 =	vadd.f32 v4, v2  }
0x62: {  	v5 =	vadd.f32 v5, v3  }
0x63: {  	v6 =	vtrunc.f32 v4  }
0x64: {  	v6 =	vcvt.f32.s32 v6;
	v7 =	vtrunc.f32 v5  }
0x65: {  	v7 =	vcvt.f32.s32 v7  }
0x66: {  	vm0 =	vlt.s32 v6, $0xFFE  }
0x67: {  	v6 =	vnsel vm0, $0xFFE, v6;
	vm0 =	vlt.s32 v7, $0xFFE  }
0x68: {  	v7 =	vnsel vm0, $0xFFE, v7;
	v8 =	vcvt.s32.f32 v6;
	v6 =	vshll.u32 v6, $0xC  }
0x69: {  	v9 =	vcvt.s32.f32 v7;
	v6 =	vadd.s32 v7, v6  }
0x6a: {  	v4 =	vsub.f32 v4, v8  }
0x6b: {  	v5 =	vsub.f32 v5, v9  }
.Ltmp0:
0x6c: {  	[tilespmem:s13+$0x0] =	vst v4;
	(pc) =	sbr.rel @p0 .LBB2_2-.Ltmp0, $4  }
0x6d: {  	s13 =	sadd.s32 $0x20, s13;
	[tilespmem:s3+$0x0] =	vst v5;
	s3 =	sadd.s32 $0x20, s3  }
0x6e: {  	s12 =	sadd.s32 $0x40, s12;
	s7 =	sadd.s32 $0x20, s7;
	s14 =	sor.u32 s11, s18;
	v4 =	vadd.s32 $0x1, v6;
	[tilespmem:s0+$0x0] =	vst v6  }
0x6f: {  	s18 =	sadd.s32 $0xFFFFFFF0, s7;
	s17 =	sor.u32 s11, s17;
	s8 =	sand.u32 $0x300, s12;
	[tilespmem:s14+$0x0] =	vst v4;
	v4 =	vadd.s32 $0x1000, v6  }
0x70: {  	s11 =	sor.u32 s11, s29;
	s28 =	sand.u32 $0x180, s18;
	s14 =	sand.u32 $0x60, s18;
	[tilespmem:s17+$0x0] =	vst v4;
	v4 =	vadd.s32 $0x1001, v6  }
0x71: {  	s9 =	sor.u32 s14, s8;
	[tilespmem:s11+$0x0] =	vst v4  }
0x72: {  	v4 =	vld [tilespmem:s9+$0x0]  }
0x73: {  	v5 =	vld [tilespmem:s9+$0x80];
	_ =	sdelay $0x3  }
0x74: {  	v4 =	vmul.f32 v4, v0  }
0x75: {  	v5 =	vmul.f32 v5, v1  }
0x76: {  	v4 =	vadd.f32 v4, v2  }
0x77: {  	v5 =	vadd.f32 v5, v3  }
0x78: {  	v6 =	vtrunc.f32 v4  }
0x79: {  	v7 =	vtrunc.f32 v5;
	v6 =	vcvt.f32.s32 v6  }
0x7a: {  	v7 =	vcvt.f32.s32 v7  }
0x7b: {  	vm0 =	vlt.s32 v6, $0xFFE  }
0x7c: {  	vm13 =	vlt.s32 v7, $0xFFE;
	v6 =	vnsel vm0, $0xFFE, v6  }
0x7d: {  	v7 =	vnsel vm13, $0xFFE, v7;
	v8 =	vcvt.s32.f32 v6  }
0x7e: {  	v9 =	vcvt.s32.f32 v7  }
0x7f: {  	v4 =	vsub.f32 v4, v8  }
0x80: {  	v5 =	vsub.f32 v5, v9  }
0x81: {  	v6 =	vshll.u32 v6, $0xC;
	[tilespmem:s13+$0xFFFFFFF0] =	vst v4  }
0x82: {  	s0 =	sadd.s32 $0x20, s0;
	s9 =	sor.u32 $0xA00, s28;
	v4 =	vadd.s32 v7, v6;
	[tilespmem:s3+$0xFFFFFFF0] =	vst v5  }
0x83: {  	s12 =	sor.u32 $0xC00, s28;
	s18 =	sor.u32 s14, s9;
	v5 =	vadd.s32 $0x1, v4;
	[tilespmem:s0+$0xFFFFFFF0] =	vst v4  }
0x84: {  	s17 =	sor.u32 $0xE00, s28;
	s20 =	sor.u32 s14, s12;
	[tilespmem:s18+$0x0] =	vst v5;
	v5 =	vadd.s32 $0x1000, v4  }
0x85: {  	s7 =	sand.u32 $0x70, s7;
	s29 =	sor.u32 s14, s17;
	v4 =	vadd.s32 $0x1001, v4;
	[tilespmem:s20+$0x0] =	vst v5  }
0x86: {  	s11 =	sor.u32 s7, s8;
	[tilespmem:s29+$0x0] =	vst v4  }
0x87: {  	v4 =	vld [tilespmem:s11+$0x0]  }
0x88: {  	v5 =	vld [tilespmem:s11+$0x80];
	_ =	sdelay $0x3  }
0x89: {  	v4 =	vmul.f32 v4, v0  }
0x8a: {  	v5 =	vmul.f32 v5, v1  }
0x8b: {  	v4 =	vadd.f32 v4, v2  }
0x8c: {  	v5 =	vadd.f32 v5, v3  }
0x8d: {  	v60 =	vtrunc.f32 v4  }
0x8e: {  	v61 =	vtrunc.f32 v5;
	v6 =	vcvt.f32.s32 v60  }
0x8f: {  	v7 =	vcvt.f32.s32 v61  }
0x90: {  	vm14 =	vlt.s32 v6, $0xFFE  }
0x91: {  	vm15 =	vlt.s32 v7, $0xFFE;
	v6 =	vnsel vm14, $0xFFE, v6  }
0x92: {  	v7 =	vnsel vm15, $0xFFE, v7;
	v62 =	vcvt.s32.f32 v6  }
0x93: {  	v63 =	vcvt.s32.f32 v7  }
0x94: {  	v4 =	vsub.f32 v4, v62  }
0x95: {  	v5 =	vsub.f32 v5, v63  }
0x96: {  	v6 =	vshll.u32 v6, $0xC;
	[tilespmem:s13+$0x0] =	vst v4  }
0x97: {  	v4 =	vadd.s32 v7, v6;
	[tilespmem:s3+$0x0] =	vst v5  }
0x98: {  	s13 =	sor.u32 s7, s9;
	v5 =	vadd.s32 $0x1, v4;
	[tilespmem:s0+$0x0] =	vst v4  }
0x99: {  	s14 =	sor.u32 s7, s12;
	[tilespmem:s13+$0x0] =	vst v5;
	v5 =	vadd.s32 $0x1000, v4  }
0x9a: {  	s18 =	sor.u32 s7, s17;
	v4 =	vadd.s32 $0x1001, v4;
	[tilespmem:s14+$0x0] =	vst v5  }
0x9b: {  	s20 =	simm.s32 $0x1800;
	[tilespmem:s18+$0x0] =	vst v4  }
0x9c: {  	[tilespmem:s20], [sflag:$0x1] =	stream.indirect.gather [hbm4b:s2+s16], $0x1, s16, s16, $0xb8;
	[tilespmem:$0x3600] =	vst v63  }
0x9d: {  	s31 =	simm.s32 $0x0;
	s28 =	rddreg [dreg:$0x7];
	s29 =	simm.s32 $0x400  }
0x9e: {  	[tilespmem:s29], [sflag:$0x4] =	stream.linear.gather [hbm4b:s28+s30], $0x400, $0x38;
	[tilespmem:$0x3600] =	vst v63  }
.LBB2_4:
0x9f: {  	_ =	swait.ge [sflag:s19], $0x400;
	s0 =	simm.s32 $0x0;
	s3 =	sand.u32 $0x300, s30  }
0xa0: {  	[sflag:s19] =	ssyncset.done $0x0;
	s7 =	sand.u32 $0x60, s0;
	s3 =	sor.u32 $0x400, s3  }
0xa1: {  	[sflag:s19] =	ssyncadd.s32 $0xFFFFFC00;
	s8 =	sor.u32 s7, s3  }
0xa2: {  	v4 =	vld [tilespmem:s8+$0x0]  }
0xa3: {  	v5 =	vld [tilespmem:s8+$0x80];
	_ =	sdelay $0x3  }
0xa4: {  	v4 =	vmul.f32 v4, v0  }
0xa5: {  	v5 =	vmul.f32 v5, v1  }
0xa6: {  	v4 =	vadd.f32 v4, v2  }
0xa7: {  	v5 =	vadd.f32 v5, v3  }
0xa8: {  	v6 =	vtrunc.f32 v4  }
0xa9: {  	v7 =	vtrunc.f32 v5;
	v6 =	vcvt.f32.s32 v6  }
0xaa: {  	v7 =	vcvt.f32.s32 v7  }
0xab: {  	vm0 =	vlt.s32 v6, $0xFFE  }
0xac: {  	vm13 =	vlt.s32 v7, $0xFFE;
	v6 =	vnsel vm0, $0xFFE, v6  }
0xad: {  	v7 =	vnsel vm13, $0xFFE, v7;
	v8 =	vcvt.s32.f32 v6  }
0xae: {  	v9 =	vcvt.s32.f32 v7  }
0xaf: {  	v4 =	vsub.f32 v4, v8  }
0xb0: {  	s29 =	simm.s32 $0x2A10;
	v5 =	vsub.f32 v5, v9  }
0xb1: {  	s11 =	simm.s32 $0x2E10;
	s9 =	sand.u32 $0x180, s0;
	v6 =	vshll.u32 v6, $0xC;
	[tilespmem:s29+$0xFFFFFFF0] =	vst v4  }
0xb2: {  	s0 =	simm.s32 $0x1010;
	s12 =	sor.u32 $0x1200, s9;
	v4 =	vadd.s32 v7, v6;
	[tilespmem:s11+$0xFFFFFFF0] =	vst v5  }
0xb3: {  	s14 =	sor.u32 $0x1400, s9;
	s13 =	sor.u32 s7, s12;
	v5 =	vadd.s32 $0x1, v4;
	[tilespmem:s0+$0xFFFFFFF0] =	vst v4  }
0xb4: {  	s17 =	simm.s32 $0x10;
	s18 =	sor.u32 $0x1600, s9;
	s20 =	sor.u32 s7, s14;
	[tilespmem:s13+$0x0] =	vst v5;
	v5 =	vadd.s32 $0x1000, v4  }
0xb5: {  	s17 =	sand.u32 $0x70, s17;
	s7 =	sor.u32 s7, s18;
	v4 =	vadd.s32 $0x1001, v4;
	[tilespmem:s20+$0x0] =	vst v5  }
0xb6: {  	s3 =	sor.u32 s17, s3;
	[tilespmem:s7+$0x0] =	vst v4  }
0xb7: {  	v4 =	vld [tilespmem:s3+$0x0]  }
0xb8: {  	v5 =	vld [tilespmem:s3+$0x80];
	_ =	sdelay $0x3  }
0xb9: {  	v4 =	vmul.f32 v4, v0  }
0xba: {  	v5 =	vmul.f32 v5, v1  }
0xbb: {  	v4 =	vadd.f32 v4, v2  }
0xbc: {  	v5 =	vadd.f32 v5, v3  }
0xbd: {  	v6 =	vtrunc.f32 v4  }
0xbe: {  	v7 =	vtrunc.f32 v5;
	v6 =	vcvt.f32.s32 v6  }
0xbf: {  	v7 =	vcvt.f32.s32 v7  }
0xc0: {  	vm14 =	vlt.s32 v6, $0xFFE  }
0xc1: {  	vm15 =	vlt.s32 v7, $0xFFE;
	v6 =	vnsel vm14, $0xFFE, v6  }
0xc2: {  	v7 =	vnsel vm15, $0xFFE, v7;
	v62 =	vcvt.s32.f32 v6  }
0xc3: {  	v63 =	vcvt.s32.f32 v7  }
0xc4: {  	v4 =	vsub.f32 v4, v62  }
0xc5: {  	v5 =	vsub.f32 v5, v63  }
0xc6: {  	s9 =	simm.s32 $0x2;
	v6 =	vshll.u32 v6, $0xC;
	[tilespmem:s29+$0x0] =	vst v4  }
0xc7: {  	s8 =	sor.u32 s17, s12;
	s12 =	simm.s32 $0x40;
	s13 =	simm.s32 $0x2A30;
	v4 =	vadd.s32 v7, v6;
	[tilespmem:s11+$0x0] =	vst v5  }
0xc8: {  	s20 =	sand.u32 $0x300, s12;
	s7 =	simm.s32 $0x30;
	s3 =	simm.s32 $0x2E30;
	v5 =	vadd.s32 $0x1, v4;
	[tilespmem:s0+$0x0] =	vst v4  }
0xc9: {  	s29 =	simm.s32 $0x20;
	s11 =	sor.u32 s17, s18;
	s17 =	sor.u32 s17, s14;
	[tilespmem:s8+$0x0] =	vst v5;
	v5 =	vadd.s32 $0x1000, v4  }
0xca: {  	s14 =	sand.u32 $0x60, s29;
	s28 =	sand.u32 $0x180, s29;
	s8 =	sor.u32 $0x400, s20;
	v4 =	vadd.s32 $0x1001, v4;
	[tilespmem:s17+$0x0] =	vst v5  }
.LBB2_5:
0xcb: {  	s9 =	sadd.s32 $0x2, s9;
	s17 =	sor.u32 s14, s8;
	[tilespmem:s11+$0x0] =	vst v4;
	s0 =	sadd.s32 $0x20, s0  }
0xcc: {  	p0 =	slt.u32 s9, $0x1E;
	v4 =	vld [tilespmem:s17+$0x0]  }
0xcd: {  	v5 =	vld [tilespmem:s17+$0x80];
	_ =	sdelay $0x3  }
0xce: {  	v4 =	vmul.f32 v4, v0  }
0xcf: {  	v5 =	vmul.f32 v5, v1  }
0xd0: {  	v4 =	vadd.f32 v4, v2  }
0xd1: {  	v5 =	vadd.f32 v5, v3  }
0xd2: {  	v6 =	vtrunc.f32 v4  }
0xd3: {  	v6 =	vcvt.f32.s32 v6;
	v7 =	vtrunc.f32 v5  }
0xd4: {  	v7 =	vcvt.f32.s32 v7  }
0xd5: {  	vm0 =	vlt.s32 v6, $0xFFE  }
0xd6: {  	v6 =	vnsel vm0, $0xFFE, v6;
	vm0 =	vlt.s32 v7, $0xFFE  }
0xd7: {  	v7 =	vnsel vm0, $0xFFE, v7;
	v8 =	vcvt.s32.f32 v6;
	v6 =	vshll.u32 v6, $0xC  }
0xd8: {  	v9 =	vcvt.s32.f32 v7;
	v6 =	vadd.s32 v7, v6  }
0xd9: {  	v4 =	vsub.f32 v4, v8  }
0xda: {  	v5 =	vsub.f32 v5, v9  }
0xdb: {  	[tilespmem:s13+$0xFFFFFFF0] =	vst v4  }
0xdc: {  	s17 =	sor.u32 $0x1200, s28;
	[tilespmem:s3+$0xFFFFFFF0] =	vst v5  }
0xdd: {  	s29 =	sor.u32 $0x1400, s28;
	s11 =	sor.u32 s14, s17;
	v4 =	vadd.s32 $0x1, v6;
	[tilespmem:s0+$0xFFFFFFF0] =	vst v6  }
0xde: {  	s18 =	sor.u32 $0x1600, s28;
	[tilespmem:s11+$0x0] =	vst v4;
	v4 =	vadd.s32 $0x1000, v6;
	s11 =	sor.u32 s14, s29  }
0xdf: {  	[tilespmem:s11+$0x0] =	vst v4;
	v4 =	vadd.s32 $0x1001, v6;
	s11 =	sor.u32 s14, s18;
	s14 =	sand.u32 $0x70, s7  }
0xe0: {  	[tilespmem:s11+$0x0] =	vst v4;
	s8 =	sor.u32 s14, s8  }
0xe1: {  	v4 =	vld [tilespmem:s8+$0x0]  }
0xe2: {  	v5 =	vld [tilespmem:s8+$0x80];
	_ =	sdelay $0x3  }
0xe3: {  	v4 =	vmul.f32 v4, v0  }
0xe4: {  	v5 =	vmul.f32 v5, v1  }
0xe5: {  	v4 =	vadd.f32 v4, v2  }
0xe6: {  	v5 =	vadd.f32 v5, v3  }
0xe7: {  	v6 =	vtrunc.f32 v4  }
0xe8: {  	v6 =	vcvt.f32.s32 v6;
	v7 =	vtrunc.f32 v5  }
0xe9: {  	v7 =	vcvt.f32.s32 v7  }
0xea: {  	vm0 =	vlt.s32 v6, $0xFFE  }
0xeb: {  	v6 =	vnsel vm0, $0xFFE, v6;
	vm0 =	vlt.s32 v7, $0xFFE  }
0xec: {  	v7 =	vnsel vm0, $0xFFE, v7;
	v8 =	vcvt.s32.f32 v6;
	v6 =	vshll.u32 v6, $0xC  }
0xed: {  	v9 =	vcvt.s32.f32 v7;
	v6 =	vadd.s32 v7, v6  }
0xee: {  	v4 =	vsub.f32 v4, v8  }
0xef: {  	v5 =	vsub.f32 v5, v9  }
.Ltmp1:
0xf0: {  	[tilespmem:s13+$0x0] =	vst v4;
	(pc) =	sbr.rel @p0 .LBB2_5-.Ltmp1, $4  }
0xf1: {  	s7 =	sadd.s32 $0x20, s7;
	s13 =	sadd.s32 $0x20, s13;
	[tilespmem:s3+$0x0] =	vst v5;
	s3 =	sadd.s32 $0x20, s3  }
0xf2: {  	s12 =	sadd.s32 $0x40, s12;
	s11 =	sor.u32 s14, s18;
	s8 =	sor.u32 s14, s17;
	v4 =	vadd.s32 $0x1, v6;
	[tilespmem:s0+$0x0] =	vst v6  }
0xf3: {  	s18 =	sand.u32 $0x300, s12;
	s20 =	sor.u32 s14, s29;
	s17 =	sadd.s32 $0xFFFFFFF0, s7;
	[tilespmem:s8+$0x0] =	vst v4;
	v4 =	vadd.s32 $0x1000, v6  }
0xf4: {  	s14 =	sand.u32 $0x60, s17;
	s28 =	sand.u32 $0x180, s17;
	s8 =	sor.u32 $0x400, s18;
	[tilespmem:s20+$0x0] =	vst v4;
	v4 =	vadd.s32 $0x1001, v6  }
0xf5: {  	s9 =	sor.u32 s14, s8;
	[tilespmem:s11+$0x0] =	vst v4  }
0xf6: {  	v4 =	vld [tilespmem:s9+$0x0]  }
0xf7: {  	v5 =	vld [tilespmem:s9+$0x80];
	_ =	sdelay $0x3  }
0xf8: {  	v4 =	vmul.f32 v4, v0  }
0xf9: {  	v5 =	vmul.f32 v5, v1  }
0xfa: {  	v4 =	vadd.f32 v4, v2  }
0xfb: {  	v5 =	vadd.f32 v5, v3  }
0xfc: {  	v6 =	vtrunc.f32 v4  }
0xfd: {  	v7 =	vtrunc.f32 v5;
	v6 =	vcvt.f32.s32 v6  }
0xfe: {  	v7 =	vcvt.f32.s32 v7  }
0xff: {  	vm0 =	vlt.s32 v6, $0xFFE  }
0x100: {  	vm13 =	vlt.s32 v7, $0xFFE;
	v6 =	vnsel vm0, $0xFFE, v6  }
0x101: {  	v7 =	vnsel vm13, $0xFFE, v7;
	v8 =	vcvt.s32.f32 v6  }
0x102: {  	v9 =	vcvt.s32.f32 v7  }
0x103: {  	v4 =	vsub.f32 v4, v8  }
0x104: {  	v5 =	vsub.f32 v5, v9  }
0x105: {  	v6 =	vshll.u32 v6, $0xC;
	[tilespmem:s13+$0xFFFFFFF0] =	vst v4  }
0x106: {  	s0 =	sadd.s32 $0x20, s0;
	s9 =	sor.u32 $0x1200, s28;
	v4 =	vadd.s32 v7, v6;
	[tilespmem:s3+$0xFFFFFFF0] =	vst v5  }
0x107: {  	s12 =	sor.u32 $0x1400, s28;
	s18 =	sor.u32 s14, s9;
	v5 =	vadd.s32 $0x1, v4;
	[tilespmem:s0+$0xFFFFFFF0] =	vst v4  }
0x108: {  	s17 =	sor.u32 $0x1600, s28;
	s20 =	sor.u32 s14, s12;
	[tilespmem:s18+$0x0] =	vst v5;
	v5 =	vadd.s32 $0x1000, v4  }
0x109: {  	s7 =	sand.u32 $0x70, s7;
	s29 =	sor.u32 s14, s17;
	v4 =	vadd.s32 $0x1001, v4;
	[tilespmem:s20+$0x0] =	vst v5  }
0x10a: {  	s11 =	sor.u32 s7, s8;
	[tilespmem:s29+$0x0] =	vst v4  }
0x10b: {  	v4 =	vld [tilespmem:s11+$0x0]  }
0x10c: {  	v5 =	vld [tilespmem:s11+$0x80];
	_ =	sdelay $0x3  }
0x10d: {  	v4 =	vmul.f32 v4, v0  }
0x10e: {  	v5 =	vmul.f32 v5, v1  }
0x10f: {  	v4 =	vadd.f32 v4, v2  }
0x110: {  	v5 =	vadd.f32 v5, v3  }
0x111: {  	v6 =	vtrunc.f32 v4  }
0x112: {  	v7 =	vtrunc.f32 v5;
	v6 =	vcvt.f32.s32 v6  }
0x113: {  	v7 =	vcvt.f32.s32 v7  }
0x114: {  	vm14 =	vlt.s32 v6, $0xFFE  }
0x115: {  	vm15 =	vlt.s32 v7, $0xFFE;
	v6 =	vnsel vm14, $0xFFE, v6  }
0x116: {  	v7 =	vnsel vm15, $0xFFE, v7;
	v8 =	vcvt.s32.f32 v6  }
0x117: {  	v63 =	vcvt.s32.f32 v7  }
0x118: {  	v4 =	vsub.f32 v4, v8  }
0x119: {  	v5 =	vsub.f32 v5, v63  }
0x11a: {  	v6 =	vshll.u32 v6, $0xC;
	[tilespmem:s13+$0x0] =	vst v4  }
0x11b: {  	v4 =	vadd.s32 v7, v6;
	[tilespmem:s3+$0x0] =	vst v5  }
0x11c: {  	p0 =	seq.s32 s31, $0x1F;
	s13 =	sor.u32 s7, s9;
	v5 =	vadd.s32 $0x1, v4;
	[tilespmem:s0+$0x0] =	vst v4  }
0x11d: {  	s14 =	sor.u32 s7, s12;
	s0 =	sshll.u32 @!p0 s31, $0xB;
	[tilespmem:s13+$0x0] =	vst v5;
	v5 =	vadd.s32 $0x1000, v4  }
0x11e: {  	s17 =	sor.u32 s7, s17;
	v4 =	vadd.s32 $0x1001, v4;
	s0 =	sadd.s32 @!p0 s0, s10;
	[tilespmem:s14+$0x0] =	vst v5  }
0x11f: {  	s18 =	simm.s32 $0x1000;
	s0 =	sshrl.u32 @!p0 s0, $0x3;
	[tilespmem:s17+$0x0] =	vst v4  }
0x120: {  	[tilespmem:s21], [sflag:$0x2] =	stream.indirect.gather [hbm4b:s2+s16], $0x1, s18, s16, $0xb8;
	[tilespmem:$0x3600] =	vst v63  }
0x121: {  	s3 =	simm.s32 @!p0 $0x0;
	s0 =	sadd.s32 @!p0 s1, s0  }
0x122: {  	[tilespmem:s3], [sflag:$0x3] =	stream.linear.gather @!p0 [hbm4b:s0+s3], $0x400, $0x38;
	[tilespmem:$0x3600] =	vst v63  }
0x123: {  	_ =	swait.ge [sflag:s22], $0x800  }
0x124: {  	p0 =	seq.s32 s31, $0x0;
	[sflag:s22] =	ssyncset.done $0x0  }
0x125: {  	s0 =	simm.s32 @!p0 $0x5;
	[sflag:s22] =	ssyncadd.s32 $0xFFFFF800  }
0x126: {  	_ =	swait.ge @!p0 [sflag:s0], $0x200  }
0x127: {  	[sflag:s0] =	ssyncset.done @!p0 $0x0  }
0x128: {  	s20 =	simm.s32 $0x0;
	[sflag:s0] =	ssyncadd.s32 @!p0 $0xFFFFFE00;
	s0 =	simm.s32 $0x1800  }
0x129: {  	s3 =	sand.u32 $0x1E0, s20;
	v4 =	vld [tilespmem:s0+$0x0]  }
0x12a: {  	v5 =	vld [tilespmem:s3+$0x1E00]  }
0x12b: {  	v6 =	vld [tilespmem:s3+$0x1A00]  }
0x12c: {  	v7 =	vld [tilespmem:s3+$0x1C00]  }
0x12d: {  	s3 =	simm.s32 $0x2C10  }
0x12e: {  	v8 =	vld [tilespmem:s3+$0xFFFFFFF0];
	_ =	sdelay $0x2  }
0x12f: {  	v6 =	vsub.f32 v6, v4;
	v5 =	vsub.f32 v5, v7;
	_ =	sdelay $0x1  }
0x130: {  	s28 =	simm.s32 $0x2810;
	v6 =	vmul.f32 v8, v6;
	v5 =	vmul.f32 v5, v8  }
0x131: {  	v8 =	vld [tilespmem:s28+$0xFFFFFFF0]  }
0x132: {  	v4 =	vadd.f32 v6, v4;
	v5 =	vadd.f32 v5, v7;
	_ =	sdelay $0x1  }
0x133: {  	v5 =	vsub.f32 v5, v4;
	_ =	sdelay $0x1  }
0x134: {  	v5 =	vmul.f32 v5, v8;
	_ =	sdelay $0x1  }
0x135: {  	v4 =	vadd.f32 v5, v4  }
0x136: {  	s7 =	simm.s32 $0x3010  }
0x137: {  	[tilespmem:s7+$0xFFFFFFF0] =	vst v4  }
0x138: {  	v4 =	vld [tilespmem:s0+$0x10]  }
0x139: {  	v5 =	vld [tilespmem:s0+$0x610]  }
0x13a: {  	v6 =	vld [tilespmem:s0+$0x410]  }
0x13b: {  	v7 =	vld [tilespmem:s0+$0x210]  }
0x13c: {  	v8 =	vld [tilespmem:s3+$0x0];
	_ =	sdelay $0x2  }
0x13d: {  	v5 =	vsub.f32 v5, v6  }
0x13e: {  	v7 =	vsub.f32 v7, v4  }
0x13f: {  	v5 =	vmul.f32 v5, v8  }
0x140: {  	v7 =	vmul.f32 v8, v7  }
0x141: {  	v6 =	vadd.f32 v5, v6;
	v5 =	vld [tilespmem:s28+$0x0]  }
0x142: {  	s29 =	sshll.u32 s31, $0xA;
	v4 =	vadd.f32 v7, v4  }
0x143: {  	s12 =	simm.s32 $0x2830;
	s8 =	sor.u32 s29, s6  }
0x144: {  	s9 =	simm.s32 $0x0;
	s13 =	simm.s32 $0x3030;
	s14 =	simm.s32 $0x20;
	v6 =	vsub.f32 v6, v4  }
.LBB2_7:
0x145: {  	s9 =	sadd.s32 $0x2, s9;
	s0 =	sadd.s32 $0x20, s0;
	s3 =	sadd.s32 $0x20, s3  }
0x146: {  	p1 =	slt.u32 s9, $0x1E;
	v5 =	vmul.f32 v6, v5;
	_ =	sdelay $0x1  }
0x147: {  	v4 =	vadd.f32 v5, v4;
	_ =	sdelay $0x1  }
0x148: {  	[tilespmem:s7+$0x0] =	vst v4;
	s7 =	smov.u32 s13  }
0x149: {  	s11 =	sand.u32 $0x1E0, s14;
	v4 =	vld [tilespmem:s0+$0x0]  }
0x14a: {  	v5 =	vld [tilespmem:s11+$0x1E00]  }
0x14b: {  	v6 =	vld [tilespmem:s11+$0x1A00]  }
0x14c: {  	v7 =	vld [tilespmem:s11+$0x1C00]  }
0x14d: {  	v8 =	vld [tilespmem:s3+$0xFFFFFFF0];
	_ =	sdelay $0x2  }
0x14e: {  	v6 =	vsub.f32 v6, v4  }
0x14f: {  	v5 =	vsub.f32 v5, v7  }
0x150: {  	v6 =	vmul.f32 v8, v6  }
0x151: {  	v5 =	vmul.f32 v5, v8  }
0x152: {  	v8 =	vld [tilespmem:s12+$0xFFFFFFF0]  }
0x153: {  	v4 =	vadd.f32 v6, v4;
	v5 =	vadd.f32 v5, v7;
	_ =	sdelay $0x1  }
0x154: {  	v5 =	vsub.f32 v5, v4;
	_ =	sdelay $0x1  }
0x155: {  	v5 =	vmul.f32 v5, v8;
	_ =	sdelay $0x1  }
0x156: {  	v4 =	vadd.f32 v5, v4;
	_ =	sdelay $0x1  }
0x157: {  	[tilespmem:s13+$0xFFFFFFF0] =	vst v4  }
0x158: {  	v4 =	vld [tilespmem:s0+$0x10]  }
0x159: {  	v5 =	vld [tilespmem:s0+$0x610]  }
0x15a: {  	v6 =	vld [tilespmem:s0+$0x410]  }
0x15b: {  	v7 =	vld [tilespmem:s0+$0x210]  }
0x15c: {  	v8 =	vld [tilespmem:s3+$0x0];
	_ =	sdelay $0x2  }
0x15d: {  	v5 =	vsub.f32 v5, v6  }
0x15e: {  	v7 =	vsub.f32 v7, v4  }
0x15f: {  	v9 =	vmul.f32 v5, v8  }
.Ltmp2:
0x160: {  	v5 =	vld [tilespmem:s12+$0x0];
	v7 =	vmul.f32 v8, v7;
	(pc) =	sbr.rel @p1 .LBB2_7-.Ltmp2, $3  }
0x161: {  	v6 =	vadd.f32 v9, v6  }
0x162: {  	v4 =	vadd.f32 v7, v4;
	_ =	sdelay $0x1  }
0x163: {  	s14 =	sadd.s32 $0x20, s14;
	s13 =	sadd.s32 $0x20, s13;
	s12 =	sadd.s32 $0x20, s12;
	v6 =	vsub.f32 v6, v4  }
0x164: {  	_ = 	snop  }
0x165: {  	p1 =	sne.s32 s31, $0x1F;
	v5 =	vmul.f32 v6, v5  }
.Ltmp3:
0x166: {  	_ = 	snop;
	(pc) =	sbr.rel @p1 .LBB2_10-.Ltmp3, $4  }
0x167: {  	v4 =	vadd.f32 v5, v4  }
0x168: {  	s0 =	sshrl.u32 s8, $0x3  }
0x169: {  	s3 =	sadd.s32 s4, s0;
	[tilespmem:s7+$0x0] =	vst v4  }
0x16a: {  	[hbm4b:s3+s5] =	stream.linear.scatter [tilespmem:s23], [sflag:$0x5], $0x200, $0x38;
	[tilespmem:$0x3600] =	vst v63  }
.Ltmp4:
0x16b: {  	(pc) =	sbr.rel .LBB2_13-.Ltmp4, $4  }
0x16c: {  	_ = 	snop  }
0x16d: {  	_ =	swait.ge [sflag:s24], $0x800  }
0x16e: {  	[sflag:s24] =	ssyncset.done $0x0  }
0x16f: {  	[sflag:s24] =	ssyncadd.s32 $0xFFFFF800  }
.LBB2_10:
0x170: {  	_ =	swait.ge [sflag:s15], $0x400;
	s3 =	simm.s32 $0x0;
	s7 =	simm.s32 $0x0  }
0x171: {  	[sflag:s15] =	ssyncset.done $0x0;
	s8 =	sand.u32 $0x300, s3;
	s9 =	sand.u32 $0x60, s7  }
0x172: {  	[sflag:s15] =	ssyncadd.s32 $0xFFFFFC00;
	s3 =	sor.u32 s9, s8  }
0x173: {  	v4 =	vld [tilespmem:s3+$0x0]  }
0x174: {  	v5 =	vld [tilespmem:s3+$0x80];
	_ =	sdelay $0x3  }
0x175: {  	v4 =	vmul.f32 v4, v0  }
0x176: {  	v5 =	vmul.f32 v5, v1  }
0x177: {  	v4 =	vadd.f32 v4, v2  }
0x178: {  	v5 =	vadd.f32 v5, v3  }
0x179: {  	v6 =	vtrunc.f32 v4  }
0x17a: {  	v7 =	vtrunc.f32 v5;
	v6 =	vcvt.f32.s32 v6  }
0x17b: {  	v7 =	vcvt.f32.s32 v7  }
0x17c: {  	vm0 =	vlt.s32 v6, $0xFFE  }
0x17d: {  	vm13 =	vlt.s32 v7, $0xFFE;
	v6 =	vnsel vm0, $0xFFE, v6  }
0x17e: {  	v7 =	vnsel vm13, $0xFFE, v7;
	v8 =	vcvt.s32.f32 v6  }
0x17f: {  	v9 =	vcvt.s32.f32 v7  }
0x180: {  	v4 =	vsub.f32 v4, v8  }
0x181: {  	s11 =	simm.s32 $0x2810;
	v5 =	vsub.f32 v5, v9  }
0x182: {  	s13 =	simm.s32 $0x2C10;
	s7 =	sand.u32 $0x180, s7;
	v6 =	vshll.u32 v6, $0xC;
	[tilespmem:s11+$0xFFFFFFF0] =	vst v4  }
0x183: {  	s14 =	sor.u32 $0xA00, s7;
	s3 =	simm.s32 $0x810;
	v4 =	vadd.s32 v7, v6;
	[tilespmem:s13+$0xFFFFFFF0] =	vst v5  }
0x184: {  	s17 =	sor.u32 $0xC00, s7;
	s12 =	sor.u32 s9, s14;
	v5 =	vadd.s32 $0x1, v4;
	[tilespmem:s3+$0xFFFFFFF0] =	vst v4  }
0x185: {  	s18 =	simm.s32 $0x10;
	s20 =	sor.u32 $0xE00, s7;
	[tilespmem:s12+$0x0] =	vst v5;
	v5 =	vadd.s32 $0x1000, v4;
	s12 =	sor.u32 s9, s17  }
0x186: {  	s18 =	sand.u32 $0x70, s18;
	s7 =	sor.u32 s9, s20;
	v4 =	vadd.s32 $0x1001, v4;
	[tilespmem:s12+$0x0] =	vst v5  }
0x187: {  	s12 =	sor.u32 s18, s8;
	[tilespmem:s7+$0x0] =	vst v4  }
0x188: {  	v4 =	vld [tilespmem:s12+$0x0]  }
0x189: {  	v5 =	vld [tilespmem:s12+$0x80];
	_ =	sdelay $0x3  }
0x18a: {  	v4 =	vmul.f32 v4, v0  }
0x18b: {  	v5 =	vmul.f32 v5, v1  }
0x18c: {  	v4 =	vadd.f32 v4, v2  }
0x18d: {  	v5 =	vadd.f32 v5, v3  }
0x18e: {  	v6 =	vtrunc.f32 v4  }
0x18f: {  	v7 =	vtrunc.f32 v5;
	v6 =	vcvt.f32.s32 v6  }
0x190: {  	v7 =	vcvt.f32.s32 v7  }
0x191: {  	vm14 =	vlt.s32 v6, $0xFFE  }
0x192: {  	vm15 =	vlt.s32 v7, $0xFFE;
	v6 =	vnsel vm14, $0xFFE, v6  }
0x193: {  	v7 =	vnsel vm15, $0xFFE, v7;
	v62 =	vcvt.s32.f32 v6  }
0x194: {  	v63 =	vcvt.s32.f32 v7  }
0x195: {  	v4 =	vsub.f32 v4, v62  }
0x196: {  	v5 =	vsub.f32 v5, v63  }
0x197: {  	s29 =	simm.s32 $0x20;
	v6 =	vshll.u32 v6, $0xC;
	[tilespmem:s11+$0x0] =	vst v4  }
0x198: {  	s28 =	sand.u32 $0x60, s29;
	s29 =	sand.u32 $0x180, s29;
	v4 =	vadd.s32 v7, v6;
	[tilespmem:s13+$0x0] =	vst v5  }
0x199: {  	s9 =	simm.s32 $0x30;
	s17 =	sor.u32 s18, s17;
	s11 =	sor.u32 s18, s14;
	v5 =	vadd.s32 $0x1, v4;
	[tilespmem:s3+$0x0] =	vst v4  }
0x19a: {  	s8 =	simm.s32 $0x40;
	s7 =	simm.s32 $0x2830;
	s12 =	simm.s32 $0x2;
	[tilespmem:s11+$0x0] =	vst v5;
	v5 =	vadd.s32 $0x1000, v4  }
0x19b: {  	s14 =	sand.u32 $0x300, s8;
	s13 =	simm.s32 $0x2C30;
	v4 =	vadd.s32 $0x1001, v4;
	s11 =	sor.u32 s18, s20;
	[tilespmem:s17+$0x0] =	vst v5  }
.LBB2_11:
0x19c: {  	s12 =	sadd.s32 $0x2, s12;
	s17 =	sor.u32 s28, s14;
	[tilespmem:s11+$0x0] =	vst v4;
	s3 =	sadd.s32 $0x20, s3  }
0x19d: {  	p1 =	slt.u32 s12, $0x1E;
	v4 =	vld [tilespmem:s17+$0x0]  }
0x19e: {  	v5 =	vld [tilespmem:s17+$0x80];
	_ =	sdelay $0x3  }
0x19f: {  	v4 =	vmul.f32 v4, v0  }
0x1a0: {  	v5 =	vmul.f32 v5, v1  }
0x1a1: {  	v4 =	vadd.f32 v4, v2  }
0x1a2: {  	v5 =	vadd.f32 v5, v3  }
0x1a3: {  	v6 =	vtrunc.f32 v4  }
0x1a4: {  	v6 =	vcvt.f32.s32 v6;
	v7 =	vtrunc.f32 v5  }
0x1a5: {  	v7 =	vcvt.f32.s32 v7  }
0x1a6: {  	vm0 =	vlt.s32 v6, $0xFFE  }
0x1a7: {  	v6 =	vnsel vm0, $0xFFE, v6;
	vm0 =	vlt.s32 v7, $0xFFE  }
0x1a8: {  	v7 =	vnsel vm0, $0xFFE, v7;
	v8 =	vcvt.s32.f32 v6;
	v6 =	vshll.u32 v6, $0xC  }
0x1a9: {  	v9 =	vcvt.s32.f32 v7;
	v6 =	vadd.s32 v7, v6  }
0x1aa: {  	v4 =	vsub.f32 v4, v8  }
0x1ab: {  	v5 =	vsub.f32 v5, v9  }
0x1ac: {  	[tilespmem:s7+$0xFFFFFFF0] =	vst v4  }
0x1ad: {  	s11 =	sor.u32 $0xA00, s29;
	[tilespmem:s13+$0xFFFFFFF0] =	vst v5  }
0x1ae: {  	s18 =	sor.u32 $0xC00, s29;
	s17 =	sor.u32 s28, s11;
	v4 =	vadd.s32 $0x1, v6;
	[tilespmem:s3+$0xFFFFFFF0] =	vst v6  }
0x1af: {  	s20 =	sor.u32 s28, s18;
	[tilespmem:s17+$0x0] =	vst v4;
	v4 =	vadd.s32 $0x1000, v6;
	s17 =	sor.u32 $0xE00, s29  }
0x1b0: {  	[tilespmem:s20+$0x0] =	vst v4;
	v4 =	vadd.s32 $0x1001, v6;
	s28 =	sor.u32 s28, s17;
	s20 =	sand.u32 $0x70, s9  }
0x1b1: {  	[tilespmem:s28+$0x0] =	vst v4;
	s14 =	sor.u32 s20, s14  }
0x1b2: {  	v4 =	vld [tilespmem:s14+$0x0]  }
0x1b3: {  	v5 =	vld [tilespmem:s14+$0x80];
	_ =	sdelay $0x3  }
0x1b4: {  	v4 =	vmul.f32 v4, v0  }
0x1b5: {  	v5 =	vmul.f32 v5, v1  }
0x1b6: {  	v4 =	vadd.f32 v4, v2  }
0x1b7: {  	v5 =	vadd.f32 v5, v3  }
0x1b8: {  	v6 =	vtrunc.f32 v4  }
0x1b9: {  	v6 =	vcvt.f32.s32 v6;
	v7 =	vtrunc.f32 v5  }
0x1ba: {  	v7 =	vcvt.f32.s32 v7  }
0x1bb: {  	vm0 =	vlt.s32 v6, $0xFFE  }
0x1bc: {  	v6 =	vnsel vm0, $0xFFE, v6;
	vm0 =	vlt.s32 v7, $0xFFE  }
0x1bd: {  	v7 =	vnsel vm0, $0xFFE, v7;
	v8 =	vcvt.s32.f32 v6;
	v6 =	vshll.u32 v6, $0xC  }
0x1be: {  	v9 =	vcvt.s32.f32 v7;
	v6 =	vadd.s32 v7, v6  }
0x1bf: {  	v4 =	vsub.f32 v4, v8  }
0x1c0: {  	v5 =	vsub.f32 v5, v9  }
.Ltmp5:
0x1c1: {  	[tilespmem:s7+$0x0] =	vst v4;
	(pc) =	sbr.rel @p1 .LBB2_11-.Ltmp5, $4  }
0x1c2: {  	s7 =	sadd.s32 $0x20, s7;
	[tilespmem:s13+$0x0] =	vst v5;
	s13 =	sadd.s32 $0x20, s13  }
0x1c3: {  	s8 =	sadd.s32 $0x40, s8;
	s9 =	sadd.s32 $0x20, s9;
	s11 =	sor.u32 s20, s11;
	v4 =	vadd.s32 $0x1, v6;
	[tilespmem:s3+$0x0] =	vst v6  }
0x1c4: {  	s29 =	sadd.s32 $0xFFFFFFF0, s9;
	s14 =	sand.u32 $0x300, s8;
	[tilespmem:s11+$0x0] =	vst v4;
	v4 =	vadd.s32 $0x1000, v6;
	s11 =	sor.u32 s20, s18  }
0x1c5: {  	s28 =	sand.u32 $0x60, s29;
	s29 =	sand.u32 $0x180, s29;
	[tilespmem:s11+$0x0] =	vst v4;
	v4 =	vadd.s32 $0x1001, v6;
	s11 =	sor.u32 s20, s17  }
0x1c6: {  	s8 =	sor.u32 s28, s14;
	[tilespmem:s11+$0x0] =	vst v4  }
0x1c7: {  	v4 =	vld [tilespmem:s8+$0x0]  }
0x1c8: {  	v5 =	vld [tilespmem:s8+$0x80];
	_ =	sdelay $0x3  }
0x1c9: {  	v4 =	vmul.f32 v4, v0  }
0x1ca: {  	v5 =	vmul.f32 v5, v1  }
0x1cb: {  	v4 =	vadd.f32 v4, v2  }
0x1cc: {  	v5 =	vadd.f32 v5, v3  }
0x1cd: {  	v6 =	vtrunc.f32 v4  }
0x1ce: {  	v7 =	vtrunc.f32 v5;
	v6 =	vcvt.f32.s32 v6  }
0x1cf: {  	v7 =	vcvt.f32.s32 v7  }
0x1d0: {  	vm0 =	vlt.s32 v6, $0xFFE  }
0x1d1: {  	vm13 =	vlt.s32 v7, $0xFFE;
	v6 =	vnsel vm0, $0xFFE, v6  }
0x1d2: {  	v7 =	vnsel vm13, $0xFFE, v7;
	v8 =	vcvt.s32.f32 v6  }
0x1d3: {  	v9 =	vcvt.s32.f32 v7  }
0x1d4: {  	v4 =	vsub.f32 v4, v8  }
0x1d5: {  	v5 =	vsub.f32 v5, v9  }
0x1d6: {  	v6 =	vshll.u32 v6, $0xC;
	[tilespmem:s7+$0xFFFFFFF0] =	vst v4  }
0x1d7: {  	s3 =	sadd.s32 $0x20, s3;
	s8 =	sor.u32 $0xA00, s29;
	v4 =	vadd.s32 v7, v6;
	[tilespmem:s13+$0xFFFFFFF0] =	vst v5  }
0x1d8: {  	s12 =	sor.u32 $0xC00, s29;
	s18 =	sor.u32 s28, s8;
	v5 =	vadd.s32 $0x1, v4;
	[tilespmem:s3+$0xFFFFFFF0] =	vst v4  }
0x1d9: {  	s17 =	sor.u32 $0xE00, s29;
	s20 =	sor.u32 s28, s12;
	[tilespmem:s18+$0x0] =	vst v5;
	v5 =	vadd.s32 $0x1000, v4  }
0x1da: {  	s9 =	sand.u32 $0x70, s9;
	s28 =	sor.u32 s28, s17;
	v4 =	vadd.s32 $0x1001, v4;
	[tilespmem:s20+$0x0] =	vst v5  }
0x1db: {  	s29 =	sor.u32 s9, s14;
	[tilespmem:s28+$0x0] =	vst v4  }
0x1dc: {  	v4 =	vld [tilespmem:s29+$0x0]  }
0x1dd: {  	v5 =	vld [tilespmem:s29+$0x80];
	_ =	sdelay $0x3  }
0x1de: {  	v4 =	vmul.f32 v4, v0  }
0x1df: {  	v5 =	vmul.f32 v5, v1  }
0x1e0: {  	v4 =	vadd.f32 v4, v2  }
0x1e1: {  	v5 =	vadd.f32 v5, v3  }
0x1e2: {  	v60 =	vtrunc.f32 v4  }
0x1e3: {  	v61 =	vtrunc.f32 v5;
	v6 =	vcvt.f32.s32 v60  }
0x1e4: {  	v7 =	vcvt.f32.s32 v61  }
0x1e5: {  	vm14 =	vlt.s32 v6, $0xFFE  }
0x1e6: {  	vm15 =	vlt.s32 v7, $0xFFE;
	v6 =	vnsel vm14, $0xFFE, v6  }
0x1e7: {  	v7 =	vnsel vm15, $0xFFE, v7;
	v62 =	vcvt.s32.f32 v6  }
0x1e8: {  	v63 =	vcvt.s32.f32 v7  }
0x1e9: {  	v4 =	vsub.f32 v4, v62  }
0x1ea: {  	v5 =	vsub.f32 v5, v63  }
0x1eb: {  	v6 =	vshll.u32 v6, $0xC;
	[tilespmem:s7+$0x0] =	vst v4  }
0x1ec: {  	v4 =	vadd.s32 v7, v6;
	[tilespmem:s13+$0x0] =	vst v5  }
0x1ed: {  	v5 =	vadd.s32 $0x1, v4;
	s13 =	sor.u32 s9, s8;
	[tilespmem:s3+$0x0] =	vst v4  }
0x1ee: {  	s14 =	sor.u32 s9, s12;
	s20 =	sshll.u32 s31, $0xB;
	s28 =	rddreg [dreg:$0x8];
	[tilespmem:s13+$0x0] =	vst v5;
	v5 =	vadd.s32 $0x1000, v4  }
0x1ef: {  	s17 =	sor.u32 s9, s17;
	s3 =	sadd.s32 s20, s28;
	v4 =	vadd.s32 $0x1001, v4;
	[tilespmem:s14+$0x0] =	vst v5  }
0x1f0: {  	s18 =	simm.s32 $0x1800;
	s3 =	sshrl.u32 s3, $0x3;
	[tilespmem:s17+$0x0] =	vst v4  }
0x1f1: {  	[tilespmem:s18], [sflag:$0x1] =	stream.indirect.gather [hbm4b:s2+s16], $0x1, s16, s16, $0xb8;
	[tilespmem:$0x3600] =	vst v63  }
.Ltmp6:
0x1f2: {  	s29 =	simm.s32 $0x400;
	s3 =	sadd.s32 s1, s3;
	(pc) =	sbr.rel @p0 .LBB2_14-.Ltmp6, $4  }
0x1f3: {  	[tilespmem:s29], [sflag:$0x4] =	stream.linear.gather [hbm4b:s3+s5], $0x400, $0x38;
	[tilespmem:$0x3600] =	vst v63  }
0x1f4: {  	_ =	swait.ge [sflag:s24], $0x800  }
0x1f5: {  	[sflag:s24] =	ssyncset.done $0x0  }
0x1f6: {  	[sflag:s24] =	ssyncadd.s32 $0xFFFFF800  }
.LBB2_13:
0x1f7: {  	_ =	swait.ge [sflag:s25], $0x200  }
0x1f8: {  	[sflag:s25] =	ssyncset.done $0x0  }
0x1f9: {  	[sflag:s25] =	ssyncadd.s32 $0xFFFFFE00  }
.LBB2_14:
0x1fa: {  	s3 =	simm.s32 $0x2000;
	s7 =	simm.s32 $0x0  }
0x1fb: {  	v4 =	vld [tilespmem:s3+$0x0];
	s7 =	sand.u32 $0x1E0, s7  }
0x1fc: {  	v5 =	vld [tilespmem:s7+$0x2600]  }
0x1fd: {  	v6 =	vld [tilespmem:s7+$0x2200]  }
0x1fe: {  	v7 =	vld [tilespmem:s7+$0x2400]  }
0x1ff: {  	s7 =	simm.s32 $0x2E10  }
0x200: {  	v8 =	vld [tilespmem:s7+$0xFFFFFFF0];
	_ =	sdelay $0x2  }
0x201: {  	v6 =	vsub.f32 v6, v4;
	v5 =	vsub.f32 v5, v7;
	_ =	sdelay $0x1  }
0x202: {  	s11 =	simm.s32 $0x2A10;
	v6 =	vmul.f32 v8, v6;
	v5 =	vmul.f32 v5, v8  }
0x203: {  	v8 =	vld [tilespmem:s11+$0xFFFFFFF0]  }
0x204: {  	v4 =	vadd.f32 v6, v4;
	v5 =	vadd.f32 v5, v7;
	_ =	sdelay $0x1  }
0x205: {  	v5 =	vsub.f32 v5, v4;
	_ =	sdelay $0x1  }
0x206: {  	v5 =	vmul.f32 v5, v8;
	_ =	sdelay $0x1  }
0x207: {  	v4 =	vadd.f32 v5, v4  }
0x208: {  	s8 =	simm.s32 $0x3210  }
0x209: {  	[tilespmem:s8+$0xFFFFFFF0] =	vst v4  }
0x20a: {  	v4 =	vld [tilespmem:s3+$0x10]  }
0x20b: {  	v5 =	vld [tilespmem:s3+$0x610]  }
0x20c: {  	v6 =	vld [tilespmem:s3+$0x410]  }
0x20d: {  	v7 =	vld [tilespmem:s3+$0x210]  }
0x20e: {  	v8 =	vld [tilespmem:s7+$0x0];
	_ =	sdelay $0x2  }
0x20f: {  	v5 =	vsub.f32 v5, v6  }
0x210: {  	v7 =	vsub.f32 v7, v4  }
0x211: {  	v5 =	vmul.f32 v5, v8  }
0x212: {  	v7 =	vmul.f32 v8, v7  }
0x213: {  	v6 =	vadd.f32 v5, v6;
	v5 =	vld [tilespmem:s11+$0x0]  }
0x214: {  	v4 =	vadd.f32 v7, v4  }
0x215: {  	s9 =	simm.s32 $0x0  }
0x216: {  	s12 =	simm.s32 $0x2A30;
	s13 =	simm.s32 $0x3230;
	s14 =	simm.s32 $0x20;
	v6 =	vsub.f32 v6, v4  }
.LBB2_15:
0x217: {  	s9 =	sadd.s32 $0x2, s9;
	s3 =	sadd.s32 $0x20, s3;
	s7 =	sadd.s32 $0x20, s7  }
0x218: {  	p0 =	slt.u32 s9, $0x1E;
	v5 =	vmul.f32 v6, v5;
	_ =	sdelay $0x1  }
0x219: {  	v4 =	vadd.f32 v5, v4;
	_ =	sdelay $0x1  }
0x21a: {  	[tilespmem:s8+$0x0] =	vst v4;
	s8 =	smov.u32 s13  }
0x21b: {  	s11 =	sand.u32 $0x1E0, s14;
	v4 =	vld [tilespmem:s3+$0x0]  }
0x21c: {  	v5 =	vld [tilespmem:s11+$0x2600]  }
0x21d: {  	v6 =	vld [tilespmem:s11+$0x2200]  }
0x21e: {  	v7 =	vld [tilespmem:s11+$0x2400]  }
0x21f: {  	v8 =	vld [tilespmem:s7+$0xFFFFFFF0];
	_ =	sdelay $0x2  }
0x220: {  	v6 =	vsub.f32 v6, v4  }
0x221: {  	v5 =	vsub.f32 v5, v7  }
0x222: {  	v6 =	vmul.f32 v8, v6  }
0x223: {  	v5 =	vmul.f32 v5, v8  }
0x224: {  	v8 =	vld [tilespmem:s12+$0xFFFFFFF0]  }
0x225: {  	v4 =	vadd.f32 v6, v4;
	v5 =	vadd.f32 v5, v7;
	_ =	sdelay $0x1  }
0x226: {  	v5 =	vsub.f32 v5, v4;
	_ =	sdelay $0x1  }
0x227: {  	v5 =	vmul.f32 v5, v8;
	_ =	sdelay $0x1  }
0x228: {  	v4 =	vadd.f32 v5, v4;
	_ =	sdelay $0x1  }
0x229: {  	[tilespmem:s13+$0xFFFFFFF0] =	vst v4  }
0x22a: {  	v4 =	vld [tilespmem:s3+$0x10]  }
0x22b: {  	v5 =	vld [tilespmem:s3+$0x610]  }
0x22c: {  	v6 =	vld [tilespmem:s3+$0x410]  }
0x22d: {  	v7 =	vld [tilespmem:s3+$0x210]  }
0x22e: {  	v8 =	vld [tilespmem:s7+$0x0];
	_ =	sdelay $0x2  }
0x22f: {  	v5 =	vsub.f32 v5, v6  }
0x230: {  	v7 =	vsub.f32 v7, v4  }
0x231: {  	v9 =	vmul.f32 v5, v8  }
.Ltmp7:
0x232: {  	v5 =	vld [tilespmem:s12+$0x0];
	v7 =	vmul.f32 v8, v7;
	(pc) =	sbr.rel @p0 .LBB2_15-.Ltmp7, $3  }
0x233: {  	v6 =	vadd.f32 v9, v6  }
0x234: {  	v4 =	vadd.f32 v7, v4;
	_ =	sdelay $0x1  }
0x235: {  	s14 =	sadd.s32 $0x20, s14;
	s13 =	sadd.s32 $0x20, s13;
	s12 =	sadd.s32 $0x20, s12;
	v6 =	vsub.f32 v6, v4  }
0x236: {  	s31 =	sadd.s32 $0x1, s31  }
0x237: {  	v5 =	vmul.f32 v6, v5;
	p0 =	sne.s32 s31, $0x20  }
.Ltmp8:
0x238: {  	_ = 	snop;
	(pc) =	sbr.rel @p0 .LBB2_4-.Ltmp8, $4  }
0x239: {  	v4 =	vadd.f32 v5, v4  }
0x23a: {  	s0 =	sadd.s32 s0, s4  }
0x23b: {  	s0 =	sadd.s32 $0x40, s0;
	[tilespmem:s8+$0x0] =	vst v4  }
0x23c: {  	[hbm4b:s0+s5] =	stream.linear.scatter [tilespmem:s26], [sflag:$0x6], $0x200, $0x38;
	[tilespmem:$0x3600] =	vst v63  }
0x23d: {  	s0 =	simm.s32 $0x5  }
0x23e: {  	_ =	swait.ge [sflag:s0], $0x200  }
0x23f: {  	[sflag:s0] =	ssyncset.done $0x0  }
0x240: {  	[sflag:s0] =	ssyncadd.s32 $0xFFFFFE00  }
0x241: {  	_ =	swait.ge [sflag:s25], $0x200  }
0x242: {  	s3 =	rddreg [dreg:$0xa]  }
0x243: {  	s31 =	rddreg [dreg:$0x9];
	s3 =	sadd.s32 $0x1, s3  }
0x244: {  	p0 =	sne.s32 s3, s31  }
.Ltmp9:
0x245: {  	_ = 	snop;
	(pc) =	sbr.rel @p0 .LBB2_1-.Ltmp9, $3  }
0x246: {  	_ =	sdelay $0x1  }
0x247: {  	[sflag:s25] =	ssyncset.done $0x0  }
0x248: {  	[sflag:s25] =	ssyncadd.s32 $0xFFFFFE00  }
0x249: {  	_ =	sfence.sel $0x180000  }
0x24a: {  	[bflag:$0x0] =	sbarrier.arrive $0xFFFF  }
0x24b: {  	_ =	strace $0x90000047  }
0x24c: {  	s0 =	stileid.u32;
	[bflag:$0x2] =	sbarrier.arrive $0xFFFF  }
0x24d: {  	p0 =	sne.s32 s0, $0x0;
	s0 =	rddreg [dreg:$0x4]  }
0x24e: {  	s0 =	sadd.s32 @!p0 $0x100000, s0  }
0x24f: {  	[sflag:s0] =	ssyncadd.tile.s32 @!p0 $0x1;
	_ =	shalt  }
.Lfunc_end2:
_tile_overlayer_lowered:
.L_overlay_start_2:
0x250: {  	(tag) =	ssettag $0x2  }
0x251: {  	s0 =	rddreg [dreg:$0x0];
	s2 =	stileid.u32  }
0x252: {  	s1 =	rddreg [dreg:$0x1];
	p0 =	sne.s32 s2, $0x0  }
0x253: {  	s3 =	rddreg [dreg:$0x2];
	[bflag:$0x3] =	sbarrier.arrive $0xFFFF;
	s2 =	simm.s32 @!p0 $0x1C07  }
0x254: {  	[timem:s3], [sflag:s2] =	dma.local @!p0 [hbm:s0], s1  }
0x255: {  	s0 =	simm.s32 @!p0 $0x7  }
0x256: {  	_ =	swait.ge @!p0 [sflag:s0], s1  }
0x257: {  	s1 =	ssub.s32 @!p0 $0x0, s1;
	[sflag:s0] =	ssyncset.done @!p0 $0x0  }
0x258: {  	[sflag:s0] =	ssyncadd.s32 @!p0 s1  }
0x259: {  	[bflag:$0x3] =	sbarrier.arrive $0xFFFF  }
0x25a: {  	_ =	shalt  }

</sc_bundles>
